<compile_context>
chip_gen: v7x
topology: tpu7x:2x2x1
jax: 0.10.2.dev20260603
libtpu: 0.0.44.dev20260713+nightly
codegen_flags: <defaults>
</compile_context>

<pallas_src>
import jax
import jax.numpy as jnp
from jax import lax
from jax.experimental import pallas as pl
from jax.experimental.pallas import tpu as pltpu
from jax.experimental.pallas import tpu_sc as plsc

_NC = 2
_NS = 16
_NW = _NC * _NS
_LANES = 16
_CHUNK_ROWS = 8
_NSLOTS = 4
_GROUP = 8


def _sc_body(hid_hbm, tab_hbm, out_hbm, bufs, sems, seq, hidden):
    rows_per_w = seq // _NW
    nchunks = rows_per_w // _CHUNK_ROWS
    assert nchunks % _NSLOTS == 0

    wid = lax.axis_index("subcore") * _NC + lax.axis_index("core")
    row0 = wid * rows_per_w

    def aligned(x):
        return pl.multiple_of(x, 8)

    def in_descrs(g, b):
        r = row0 + g * _CHUNK_ROWS
        t_v, h0_v, h1_v = bufs[b]
        in_sem = sems[b][0]
        return (
            pltpu.make_async_copy(tab_hbm.at[pl.ds(aligned(r), _CHUNK_ROWS)], t_v, in_sem),
            pltpu.make_async_copy(hid_hbm.at[pl.ds(aligned(r), _CHUNK_ROWS)], h0_v, in_sem),
            pltpu.make_async_copy(hid_hbm.at[pl.ds(aligned(seq + r), _CHUNK_ROWS)], h1_v, in_sem),
        )

    def out_descrs(g, b):
        r = row0 + g * _CHUNK_ROWS
        _, h0_v, h1_v = bufs[b]
        out_sem = sems[b][1]
        return (
            pltpu.make_async_copy(h0_v, out_hbm.at[pl.ds(aligned(r), _CHUNK_ROWS)], out_sem),
            pltpu.make_async_copy(h1_v, out_hbm.at[pl.ds(aligned(seq + r), _CHUNK_ROWS)], out_sem),
        )

    def start_in(g, b):
        for c in in_descrs(g, b):
            c.start()

    def compute(b):
        t_v, h0_v, h1_v = bufs[b]
        for row in range(_CHUNK_ROWS):
            for c0 in range(0, hidden, _GROUP * _LANES):
                sls = [(row, pl.ds(c0 + k * _LANES, _LANES)) for k in range(_GROUP)]
                ts = [t_v[sl] for sl in sls]
                for k, sl in enumerate(sls):
                    plsc.addupdate(h0_v.at[sl], ts[k])
                for k, sl in enumerate(sls):
                    plsc.addupdate(h1_v.at[sl], ts[k])

    start_in(0, 0)
    start_in(1, 1)

    @pl.loop(0, nchunks, step=_NSLOTS)
    def _(g0):
        for db in range(_NSLOTS):
            g = g0 + db
            for c in in_descrs(g, db):
                c.wait()
            for c in out_descrs(g, db):
                c.start()
            b2 = (db + 2) % _NSLOTS

            @pl.when(g + 2 < nchunks)
            def _():
                @pl.when(g + 2 - _NSLOTS >= 0)
                def _():
                    for c in out_descrs(g + 2 - _NSLOTS, b2):
                        c.wait()

                start_in(g + 2, b2)

    for db in range(_NSLOTS):
        for c in out_descrs(nchunks - _NSLOTS + db, db):
            c.wait()


def kernel(hidden_states, table, seq_len):
    batch, static_len, hidden = hidden_states.shape
    del seq_len
    hid2d = hidden_states.reshape(batch * static_len, hidden)

    mesh = plsc.VectorSubcoreMesh(core_axis_name="core", subcore_axis_name="subcore")
    scratch = []
    for _ in range(_NSLOTS):
        scratch += [pltpu.VMEM((_CHUNK_ROWS, hidden), jnp.float32)] * 3
    scratch += [pltpu.SemaphoreType.DMA] * (2 * _NSLOTS)

    def body(hid_hbm, tab_hbm, out_hbm, *rest):
        bufs = [tuple(rest[3 * i : 3 * i + 3]) for i in range(_NSLOTS)]
        semflat = rest[3 * _NSLOTS :]
        sems = [tuple(semflat[2 * i : 2 * i + 2]) for i in range(_NSLOTS)]
        _sc_body(hid_hbm, tab_hbm, out_hbm, bufs, sems, static_len, hidden)

    run = pl.kernel(
        body,
        out_type=jax.ShapeDtypeStruct((batch * static_len, hidden), jnp.float32),
        mesh=mesh,
        scratch_types=scratch,
    )
    out2d = run(hid2d, table)
    return out2d.reshape(hidden_states.shape)

# --- scband reference (transcript-rebuilt; emitter-appended) ---
"""Pipeline reference for scband-learned-absolute-pe-77257871721207 (READ-ONLY COPY).

The authoritative reference and input builder live on the scoring server;
editing this copy changes nothing except your own understanding.
"""

import jax, jax.numpy as jnp
import numpy as np

MAX_SEQ_LEN = 8192
HIDDEN = 1024
BATCH = 2
SEQ_LEN = 8192

def setup_inputs(seed: int = 0) -> dict:
    key = jax.random.key(seed)
    k1, k2 = jax.random.split(key)
    hidden_states = jax.random.normal(k1, (BATCH, SEQ_LEN, HIDDEN), dtype=jnp.float32)
    # learned embedding table, init std=0.02 as in nn.init.normal_(std=0.02)
    table = jax.random.normal(k2, (MAX_SEQ_LEN, HIDDEN), dtype=jnp.float32) * 0.02
    return {"hidden_states": hidden_states, "table": table, "seq_len": SEQ_LEN}

def reference(hidden_states, table, seq_len):
    static_len = hidden_states.shape[1]
    assert static_len <= MAX_SEQ_LEN
    # position_ids = arange(seq_len).unsqueeze(0)
    position_ids = (jnp.arange(static_len) + (seq_len - static_len))[None, :]
    # pos_emb = self.embedding(position_ids)
    pos_emb = jnp.take(table, position_ids, axis=0)
    # PEOutput(hidden_states=hidden_states + pos_emb)
    return hidden_states + pos_emb

if __name__ == "__main__":
    import jax
    _d = setup_inputs()
    print(jax.jit(kernel)(*tuple(_d.values())))

</pallas_src>

<mosaic_0001>
#map = affine_map<(d0, d1) -> (0, 0)>
module attributes {stable_mosaic.version = 14 : i64} {
  func.func @body(%arg0: i32, %arg1: i32, %arg2: memref<16384x1024xf32, #tpu.memory_space<hbm>>, %arg3: memref<8192x1024xf32, #tpu.memory_space<hbm>>, %arg4: memref<16384x1024xf32, #tpu.memory_space<hbm>>, %arg5: memref<8x1024xf32, #tpu.memory_space<vmem>>, %arg6: memref<8x1024xf32, #tpu.memory_space<vmem>>, %arg7: memref<8x1024xf32, #tpu.memory_space<vmem>>, %arg8: memref<8x1024xf32, #tpu.memory_space<vmem>>, %arg9: memref<8x1024xf32, #tpu.memory_space<vmem>>, %arg10: memref<8x1024xf32, #tpu.memory_space<vmem>>, %arg11: memref<8x1024xf32, #tpu.memory_space<vmem>>, %arg12: memref<8x1024xf32, #tpu.memory_space<vmem>>, %arg13: memref<8x1024xf32, #tpu.memory_space<vmem>>, %arg14: memref<8x1024xf32, #tpu.memory_space<vmem>>, %arg15: memref<8x1024xf32, #tpu.memory_space<vmem>>, %arg16: memref<8x1024xf32, #tpu.memory_space<vmem>>, %arg17: memref<!tpu.dma_semaphore, #tpu.memory_space<semaphore_mem>>, %arg18: memref<!tpu.dma_semaphore, #tpu.memory_space<semaphore_mem>>, %arg19: memref<!tpu.dma_semaphore, #tpu.memory_space<semaphore_mem>>, %arg20: memref<!tpu.dma_semaphore, #tpu.memory_space<semaphore_mem>>, %arg21: memref<!tpu.dma_semaphore, #tpu.memory_space<semaphore_mem>>, %arg22: memref<!tpu.dma_semaphore, #tpu.memory_space<semaphore_mem>>, %arg23: memref<!tpu.dma_semaphore, #tpu.memory_space<semaphore_mem>>, %arg24: memref<!tpu.dma_semaphore, #tpu.memory_space<semaphore_mem>>) attributes {dimension_semantics = [#tpu.dimension_semantics<core_parallel>, #tpu.dimension_semantics<subcore_parallel>], iteration_bounds = array<i64: 2, 16>, scalar_prefetch = 0 : i64, scratch_operands = 20 : i64, tpu.core_type = #tpu.core_type<sc_vector_subcore>, window_params = [{transform_indices = #map}, {transform_indices = #map}, {transform_indices = #map}]} {
    %mul3A = arith.constant 2 : i32
    %mul3A_0 = arith.muli %arg1, %mul3A : i32
    %add3A = arith.addi %mul3A_0, %arg0 : i32
    %mul3A_1 = arith.constant 256 : i32
    %mul3A_2 = arith.muli %add3A, %mul3A_1 : i32
    %add3A_3 = arith.constant 0 : i32
    %add3A_4 = arith.addi %mul3A_2, %add3A_3 : i32
    %multiple_of3A = tpu.assume_multiple %add3A_4, 8 : i32
    %multiple_of3A_5 = tpu.assume_multiple %add3A_4, 8 : i32
    %add3A_6 = arith.constant 8192 : i32
    %add3A_7 = arith.addi %add3A_6, %add3A_4 : i32
    %multiple_of3A_8 = tpu.assume_multiple %add3A_7, 8 : i32
    %dma_start3A = arith.constant 0 : i32
    %dma_start3A_9 = tpu.memref_slice %arg3[%multiple_of3A, %dma_start3A] : memref<8192x1024xf32, #tpu.memory_space<hbm>> -> memref<8x1024xf32, #tpu.memory_space<hbm>>
    %dma_start3A_10 = arith.constant 0 : i32
    %dma_start3A_11 = tpu.memref_slice %arg3[%multiple_of3A, %dma_start3A_10] : memref<8192x1024xf32, #tpu.memory_space<hbm>> -> memref<8x1024xf32, #tpu.memory_space<hbm>>
    tpu.enqueue_dma source(%dma_start3A_11 : memref<8x1024xf32, #tpu.memory_space<hbm>>) target(%arg5 : memref<8x1024xf32, #tpu.memory_space<vmem>>) target_semaphore(%arg17 : memref<!tpu.dma_semaphore, #tpu.memory_space<semaphore_mem>>)
    %dma_start3A_12 = arith.constant 0 : i32
    %dma_start3A_13 = tpu.memref_slice %arg2[%multiple_of3A_5, %dma_start3A_12] : memref<16384x1024xf32, #tpu.memory_space<hbm>> -> memref<8x1024xf32, #tpu.memory_space<hbm>>
    %dma_start3A_14 = arith.constant 0 : i32
    %dma_start3A_15 = tpu.memref_slice %arg2[%multiple_of3A_5, %dma_start3A_14] : memref<16384x1024xf32, #tpu.memory_space<hbm>> -> memref<8x1024xf32, #tpu.memory_space<hbm>>
    tpu.enqueue_dma source(%dma_start3A_15 : memref<8x1024xf32, #tpu.memory_space<hbm>>) target(%arg6 : memref<8x1024xf32, #tpu.memory_space<vmem>>) target_semaphore(%arg17 : memref<!tpu.dma_semaphore, #tpu.memory_space<semaphore_mem>>)
    %dma_start3A_16 = arith.constant 0 : i32
    %dma_start3A_17 = tpu.memref_slice %arg2[%multiple_of3A_8, %dma_start3A_16] : memref<16384x1024xf32, #tpu.memory_space<hbm>> -> memref<8x1024xf32, #tpu.memory_space<hbm>>
    %dma_start3A_18 = arith.constant 0 : i32
    %dma_start3A_19 = tpu.memref_slice %arg2[%multiple_of3A_8, %dma_start3A_18] : memref<16384x1024xf32, #tpu.memory_space<hbm>> -> memref<8x1024xf32, #tpu.memory_space<hbm>>
    tpu.enqueue_dma source(%dma_start3A_19 : memref<8x1024xf32, #tpu.memory_space<hbm>>) target(%arg7 : memref<8x1024xf32, #tpu.memory_space<vmem>>) target_semaphore(%arg17 : memref<!tpu.dma_semaphore, #tpu.memory_space<semaphore_mem>>)
    %add3A_20 = arith.constant 8 : i32
    %add3A_21 = arith.addi %mul3A_2, %add3A_20 : i32
    %multiple_of3A_22 = tpu.assume_multiple %add3A_21, 8 : i32
    %multiple_of3A_23 = tpu.assume_multiple %add3A_21, 8 : i32
    %add3A_24 = arith.constant 8192 : i32
    %add3A_25 = arith.addi %add3A_24, %add3A_21 : i32
    %multiple_of3A_26 = tpu.assume_multiple %add3A_25, 8 : i32
    %dma_start3A_27 = arith.constant 0 : i32
    %dma_start3A_28 = tpu.memref_slice %arg3[%multiple_of3A_22, %dma_start3A_27] : memref<8192x1024xf32, #tpu.memory_space<hbm>> -> memref<8x1024xf32, #tpu.memory_space<hbm>>
    %dma_start3A_29 = arith.constant 0 : i32
    %dma_start3A_30 = tpu.memref_slice %arg3[%multiple_of3A_22, %dma_start3A_29] : memref<8192x1024xf32, #tpu.memory_space<hbm>> -> memref<8x1024xf32, #tpu.memory_space<hbm>>
    tpu.enqueue_dma source(%dma_start3A_30 : memref<8x1024xf32, #tpu.memory_space<hbm>>) target(%arg8 : memref<8x1024xf32, #tpu.memory_space<vmem>>) target_semaphore(%arg19 : memref<!tpu.dma_semaphore, #tpu.memory_space<semaphore_mem>>)
    %dma_start3A_31 = arith.constant 0 : i32
    %dma_start3A_32 = tpu.memref_slice %arg2[%multiple_of3A_23, %dma_start3A_31] : memref<16384x1024xf32, #tpu.memory_space<hbm>> -> memref<8x1024xf32, #tpu.memory_space<hbm>>
    %dma_start3A_33 = arith.constant 0 : i32
    %dma_start3A_34 = tpu.memref_slice %arg2[%multiple_of3A_23, %dma_start3A_33] : memref<16384x1024xf32, #tpu.memory_space<hbm>> -> memref<8x1024xf32, #tpu.memory_space<hbm>>
    tpu.enqueue_dma source(%dma_start3A_34 : memref<8x1024xf32, #tpu.memory_space<hbm>>) target(%arg9 : memref<8x1024xf32, #tpu.memory_space<vmem>>) target_semaphore(%arg19 : memref<!tpu.dma_semaphore, #tpu.memory_space<semaphore_mem>>)
    %dma_start3A_35 = arith.constant 0 : i32
    %dma_start3A_36 = tpu.memref_slice %arg2[%multiple_of3A_26, %dma_start3A_35] : memref<16384x1024xf32, #tpu.memory_space<hbm>> -> memref<8x1024xf32, #tpu.memory_space<hbm>>
    %dma_start3A_37 = arith.constant 0 : i32
    %dma_start3A_38 = tpu.memref_slice %arg2[%multiple_of3A_26, %dma_start3A_37] : memref<16384x1024xf32, #tpu.memory_space<hbm>> -> memref<8x1024xf32, #tpu.memory_space<hbm>>
    tpu.enqueue_dma source(%dma_start3A_38 : memref<8x1024xf32, #tpu.memory_space<hbm>>) target(%arg10 : memref<8x1024xf32, #tpu.memory_space<vmem>>) target_semaphore(%arg19 : memref<!tpu.dma_semaphore, #tpu.memory_space<semaphore_mem>>)
    %scan3A = arith.constant 0 : i32
    %scan3A_39 = arith.constant 8 : i32
    %scan3A_40 = arith.addi %scan3A, %scan3A_39 : i32
    %scan3A_41 = arith.constant 1 : i32
    scf.for %scan3A_98 = %scan3A to %scan3A_40 step %scan3A_41  : i32 {
      %mul3A_99 = arith.constant 4 : i32
      %mul3A_100 = arith.muli %scan3A_98, %mul3A_99 : i32
      %add3A_101 = arith.constant 0 : i32
      %add3A_102 = arith.addi %add3A_101, %mul3A_100 : i32
      %add3A_103 = arith.constant 0 : i32
      %add3A_104 = arith.addi %add3A_102, %add3A_103 : i32
      %mul3A_105 = arith.constant 8 : i32
      %mul3A_106 = arith.muli %add3A_104, %mul3A_105 : i32
      %add3A_107 = arith.addi %mul3A_2, %mul3A_106 : i32
      %multiple_of3A_108 = tpu.assume_multiple %add3A_107, 8 : i32
      %multiple_of3A_109 = tpu.assume_multiple %add3A_107, 8 : i32
      %add3A_110 = arith.constant 8192 : i32
      %add3A_111 = arith.addi %add3A_110, %add3A_107 : i32
      %multiple_of3A_112 = tpu.assume_multiple %add3A_111, 8 : i32
      %dma_wait3A_113 = arith.constant 0 : i32
      %dma_wait3A_114 = tpu.memref_slice %arg3[%multiple_of3A_108, %dma_wait3A_113] : memref<8192x1024xf32, #tpu.memory_space<hbm>> -> memref<8x1024xf32, #tpu.memory_space<hbm>>
      %dma_wait3A_115 = arith.constant 0 : i32
      %dma_wait3A_116 = tpu.memref_slice %arg3[%multiple_of3A_108, %dma_wait3A_115] : memref<8192x1024xf32, #tpu.memory_space<hbm>> -> memref<8x1024xf32, #tpu.memory_space<hbm>>
      tpu.wait_dma2 semaphore(%arg17 : memref<!tpu.dma_semaphore, #tpu.memory_space<semaphore_mem>>) src(%dma_wait3A_116 : memref<8x1024xf32, #tpu.memory_space<hbm>>) dst(%arg5 : memref<8x1024xf32, #tpu.memory_space<vmem>>)
      %dma_wait3A_117 = arith.constant 0 : i32
      %dma_wait3A_118 = tpu.memref_slice %arg2[%multiple_of3A_109, %dma_wait3A_117] : memref<16384x1024xf32, #tpu.memory_space<hbm>> -> memref<8x1024xf32, #tpu.memory_space<hbm>>
      %dma_wait3A_119 = arith.constant 0 : i32
      %dma_wait3A_120 = tpu.memref_slice %arg2[%multiple_of3A_109, %dma_wait3A_119] : memref<16384x1024xf32, #tpu.memory_space<hbm>> -> memref<8x1024xf32, #tpu.memory_space<hbm>>
      tpu.wait_dma2 semaphore(%arg17 : memref<!tpu.dma_semaphore, #tpu.memory_space<semaphore_mem>>) src(%dma_wait3A_120 : memref<8x1024xf32, #tpu.memory_space<hbm>>) dst(%arg6 : memref<8x1024xf32, #tpu.memory_space<vmem>>)
      %dma_wait3A_121 = arith.constant 0 : i32
      %dma_wait3A_122 = tpu.memref_slice %arg2[%multiple_of3A_112, %dma_wait3A_121] : memref<16384x1024xf32, #tpu.memory_space<hbm>> -> memref<8x1024xf32, #tpu.memory_space<hbm>>
      %dma_wait3A_123 = arith.constant 0 : i32
      %dma_wait3A_124 = tpu.memref_slice %arg2[%multiple_of3A_112, %dma_wait3A_123] : memref<16384x1024xf32, #tpu.memory_space<hbm>> -> memref<8x1024xf32, #tpu.memory_space<hbm>>
      tpu.wait_dma2 semaphore(%arg17 : memref<!tpu.dma_semaphore, #tpu.memory_space<semaphore_mem>>) src(%dma_wait3A_124 : memref<8x1024xf32, #tpu.memory_space<hbm>>) dst(%arg7 : memref<8x1024xf32, #tpu.memory_space<vmem>>)
      %mul3A_125 = arith.constant 8 : i32
      %mul3A_126 = arith.muli %add3A_104, %mul3A_125 : i32
      %add3A_127 = arith.addi %mul3A_2, %mul3A_126 : i32
      %multiple_of3A_128 = tpu.assume_multiple %add3A_127, 8 : i32
      %add3A_129 = arith.constant 8192 : i32
      %add3A_130 = arith.addi %add3A_129, %add3A_127 : i32
      %multiple_of3A_131 = tpu.assume_multiple %add3A_130, 8 : i32
      %dma_start3A_132 = arith.constant 0 : i32
      %dma_start3A_133 = tpu.memref_slice %arg4[%multiple_of3A_128, %dma_start3A_132] : memref<16384x1024xf32, #tpu.memory_space<hbm>> -> memref<8x1024xf32, #tpu.memory_space<hbm>>
      %dma_start3A_134 = arith.constant 0 : i32
      %dma_start3A_135 = tpu.memref_slice %arg4[%multiple_of3A_128, %dma_start3A_134] : memref<16384x1024xf32, #tpu.memory_space<hbm>> -> memref<8x1024xf32, #tpu.memory_space<hbm>>
      tpu.enqueue_dma source(%arg6 : memref<8x1024xf32, #tpu.memory_space<vmem>>) target(%dma_start3A_135 : memref<8x1024xf32, #tpu.memory_space<hbm>>) target_semaphore(%arg18 : memref<!tpu.dma_semaphore, #tpu.memory_space<semaphore_mem>>)
      %dma_start3A_136 = arith.constant 0 : i32
      %dma_start3A_137 = tpu.memref_slice %arg4[%multiple_of3A_131, %dma_start3A_136] : memref<16384x1024xf32, #tpu.memory_space<hbm>> -> memref<8x1024xf32, #tpu.memory_space<hbm>>
      %dma_start3A_138 = arith.constant 0 : i32
      %dma_start3A_139 = tpu.memref_slice %arg4[%multiple_of3A_131, %dma_start3A_138] : memref<16384x1024xf32, #tpu.memory_space<hbm>> -> memref<8x1024xf32, #tpu.memory_space<hbm>>
      tpu.enqueue_dma source(%arg7 : memref<8x1024xf32, #tpu.memory_space<vmem>>) target(%dma_start3A_139 : memref<8x1024xf32, #tpu.memory_space<hbm>>) target_semaphore(%arg18 : memref<!tpu.dma_semaphore, #tpu.memory_space<semaphore_mem>>)
      %add3A_140 = arith.constant 2 : i32
      %add3A_141 = arith.addi %add3A_104, %add3A_140 : i32
      %lt3A = arith.constant 32 : i32
      %lt3A_142 = arith.cmpi slt, %add3A_141, %lt3A : i32
      %convert_element_type3A = arith.extui %lt3A_142 : i1 to i32
      %cond3A = arith.constant 0 : i32
      %cond3A_143 = arith.cmpi ne, %convert_element_type3A, %cond3A : i32
      scf.if %cond3A_143 {
        %add3A_276 = arith.constant 2 : i32
        %add3A_277 = arith.addi %add3A_104, %add3A_276 : i32
        %sub3A = arith.constant 4 : i32
        %sub3A_278 = arith.subi %add3A_277, %sub3A : i32
        %ge3A = arith.constant 0 : i32
        %ge3A_279 = arith.cmpi sge, %sub3A_278, %ge3A : i32
        %convert_element_type3A_280 = arith.extui %ge3A_279 : i1 to i32
        %cond3A_281 = arith.constant 0 : i32
        %cond3A_282 = arith.cmpi ne, %convert_element_type3A_280, %cond3A_281 : i32
        scf.if %cond3A_282 {
          %add3A_305 = arith.constant 2 : i32
          %add3A_306 = arith.addi %add3A_104, %add3A_305 : i32
          %sub3A_307 = arith.constant 4 : i32
          %sub3A_308 = arith.subi %add3A_306, %sub3A_307 : i32
          %mul3A_309 = arith.constant 8 : i32
          %mul3A_310 = arith.muli %sub3A_308, %mul3A_309 : i32
          %add3A_311 = arith.addi %mul3A_2, %mul3A_310 : i32
          %multiple_of3A_312 = tpu.assume_multiple %add3A_311, 8 : i32
          %add3A_313 = arith.constant 8192 : i32
          %add3A_314 = arith.addi %add3A_313, %add3A_311 : i32
          %multiple_of3A_315 = tpu.assume_multiple %add3A_314, 8 : i32
          %dma_wait3A_316 = arith.constant 0 : i32
          %dma_wait3A_317 = tpu.memref_slice %arg4[%multiple_of3A_312, %dma_wait3A_316] : memref<16384x1024xf32, #tpu.memory_space<hbm>> -> memref<8x1024xf32, #tpu.memory_space<hbm>>
          %dma_wait3A_318 = arith.constant 0 : i32
          %dma_wait3A_319 = tpu.memref_slice %arg4[%multiple_of3A_312, %dma_wait3A_318] : memref<16384x1024xf32, #tpu.memory_space<hbm>> -> memref<8x1024xf32, #tpu.memory_space<hbm>>
          tpu.wait_dma2 semaphore(%arg22 : memref<!tpu.dma_semaphore, #tpu.memory_space<semaphore_mem>>) src(%arg12 : memref<8x1024xf32, #tpu.memory_space<vmem>>) dst(%dma_wait3A_319 : memref<8x1024xf32, #tpu.memory_space<hbm>>)
          %dma_wait3A_320 = arith.constant 0 : i32
          %dma_wait3A_321 = tpu.memref_slice %arg4[%multiple_of3A_315, %dma_wait3A_320] : memref<16384x1024xf32, #tpu.memory_space<hbm>> -> memref<8x1024xf32, #tpu.memory_space<hbm>>
          %dma_wait3A_322 = arith.constant 0 : i32
          %dma_wait3A_323 = tpu.memref_slice %arg4[%multiple_of3A_315, %dma_wait3A_322] : memref<16384x1024xf32, #tpu.memory_space<hbm>> -> memref<8x1024xf32, #tpu.memory_space<hbm>>
          tpu.wait_dma2 semaphore(%arg22 : memref<!tpu.dma_semaphore, #tpu.memory_space<semaphore_mem>>) src(%arg13 : memref<8x1024xf32, #tpu.memory_space<vmem>>) dst(%dma_wait3A_323 : memref<8x1024xf32, #tpu.memory_space<hbm>>)
        } else {
        }
        %add3A_283 = arith.constant 2 : i32
        %add3A_284 = arith.addi %add3A_104, %add3A_283 : i32
        %mul3A_285 = arith.constant 8 : i32
        %mul3A_286 = arith.muli %add3A_284, %mul3A_285 : i32
        %add3A_287 = arith.addi %mul3A_2, %mul3A_286 : i32
        %multiple_of3A_288 = tpu.assume_multiple %add3A_287, 8 : i32
        %multiple_of3A_289 = tpu.assume_multiple %add3A_287, 8 : i32
        %add3A_290 = arith.constant 8192 : i32
        %add3A_291 = arith.addi %add3A_290, %add3A_287 : i32
        %multiple_of3A_292 = tpu.assume_multiple %add3A_291, 8 : i32
        %dma_start3A_293 = arith.constant 0 : i32
        %dma_start3A_294 = tpu.memref_slice %arg3[%multiple_of3A_288, %dma_start3A_293] : memref<8192x1024xf32, #tpu.memory_space<hbm>> -> memref<8x1024xf32, #tpu.memory_space<hbm>>
        %dma_start3A_295 = arith.constant 0 : i32
        %dma_start3A_296 = tpu.memref_slice %arg3[%multiple_of3A_288, %dma_start3A_295] : memref<8192x1024xf32, #tpu.memory_space<hbm>> -> memref<8x1024xf32, #tpu.memory_space<hbm>>
        tpu.enqueue_dma source(%dma_start3A_296 : memref<8x1024xf32, #tpu.memory_space<hbm>>) target(%arg11 : memref<8x1024xf32, #tpu.memory_space<vmem>>) target_semaphore(%arg21 : memref<!tpu.dma_semaphore, #tpu.memory_space<semaphore_mem>>)
        %dma_start3A_297 = arith.constant 0 : i32
        %dma_start3A_298 = tpu.memref_slice %arg2[%multiple_of3A_289, %dma_start3A_297] : memref<16384x1024xf32, #tpu.memory_space<hbm>> -> memref<8x1024xf32, #tpu.memory_space<hbm>>
        %dma_start3A_299 = arith.constant 0 : i32
        %dma_start3A_300 = tpu.memref_slice %arg2[%multiple_of3A_289, %dma_start3A_299] : memref<16384x1024xf32, #tpu.memory_space<hbm>> -> memref<8x1024xf32, #tpu.memory_space<hbm>>
        tpu.enqueue_dma source(%dma_start3A_300 : memref<8x1024xf32, #tpu.memory_space<hbm>>) target(%arg12 : memref<8x1024xf32, #tpu.memory_space<vmem>>) target_semaphore(%arg21 : memref<!tpu.dma_semaphore, #tpu.memory_space<semaphore_mem>>)
        %dma_start3A_301 = arith.constant 0 : i32
        %dma_start3A_302 = tpu.memref_slice %arg2[%multiple_of3A_292, %dma_start3A_301] : memref<16384x1024xf32, #tpu.memory_space<hbm>> -> memref<8x1024xf32, #tpu.memory_space<hbm>>
        %dma_start3A_303 = arith.constant 0 : i32
        %dma_start3A_304 = tpu.memref_slice %arg2[%multiple_of3A_292, %dma_start3A_303] : memref<16384x1024xf32, #tpu.memory_space<hbm>> -> memref<8x1024xf32, #tpu.memory_space<hbm>>
        tpu.enqueue_dma source(%dma_start3A_304 : memref<8x1024xf32, #tpu.memory_space<hbm>>) target(%arg13 : memref<8x1024xf32, #tpu.memory_space<vmem>>) target_semaphore(%arg21 : memref<!tpu.dma_semaphore, #tpu.memory_space<semaphore_mem>>)
      } else {
      }
      %add3A_144 = arith.constant 1 : i32
      %add3A_145 = arith.addi %add3A_102, %add3A_144 : i32
      %mul3A_146 = arith.constant 8 : i32
      %mul3A_147 = arith.muli %add3A_145, %mul3A_146 : i32
      %add3A_148 = arith.addi %mul3A_2, %mul3A_147 : i32
      %multiple_of3A_149 = tpu.assume_multiple %add3A_148, 8 : i32
      %multiple_of3A_150 = tpu.assume_multiple %add3A_148, 8 : i32
      %add3A_151 = arith.constant 8192 : i32
      %add3A_152 = arith.addi %add3A_151, %add3A_148 : i32
      %multiple_of3A_153 = tpu.assume_multiple %add3A_152, 8 : i32
      %dma_wait3A_154 = arith.constant 0 : i32
      %dma_wait3A_155 = tpu.memref_slice %arg3[%multiple_of3A_149, %dma_wait3A_154] : memref<8192x1024xf32, #tpu.memory_space<hbm>> -> memref<8x1024xf32, #tpu.memory_space<hbm>>
      %dma_wait3A_156 = arith.constant 0 : i32
      %dma_wait3A_157 = tpu.memref_slice %arg3[%multiple_of3A_149, %dma_wait3A_156] : memref<8192x1024xf32, #tpu.memory_space<hbm>> -> memref<8x1024xf32, #tpu.memory_space<hbm>>
      tpu.wait_dma2 semaphore(%arg19 : memref<!tpu.dma_semaphore, #tpu.memory_space<semaphore_mem>>) src(%dma_wait3A_157 : memref<8x1024xf32, #tpu.memory_space<hbm>>) dst(%arg8 : memref<8x1024xf32, #tpu.memory_space<vmem>>)
      %dma_wait3A_158 = arith.constant 0 : i32
      %dma_wait3A_159 = tpu.memref_slice %arg2[%multiple_of3A_150, %dma_wait3A_158] : memref<16384x1024xf32, #tpu.memory_space<hbm>> -> memref<8x1024xf32, #tpu.memory_space<hbm>>
      %dma_wait3A_160 = arith.constant 0 : i32
      %dma_wait3A_161 = tpu.memref_slice %arg2[%multiple_of3A_150, %dma_wait3A_160] : memref<16384x1024xf32, #tpu.memory_space<hbm>> -> memref<8x1024xf32, #tpu.memory_space<hbm>>
      tpu.wait_dma2 semaphore(%arg19 : memref<!tpu.dma_semaphore, #tpu.memory_space<semaphore_mem>>) src(%dma_wait3A_161 : memref<8x1024xf32, #tpu.memory_space<hbm>>) dst(%arg9 : memref<8x1024xf32, #tpu.memory_space<vmem>>)
      %dma_wait3A_162 = arith.constant 0 : i32
      %dma_wait3A_163 = tpu.memref_slice %arg2[%multiple_of3A_153, %dma_wait3A_162] : memref<16384x1024xf32, #tpu.memory_space<hbm>> -> memref<8x1024xf32, #tpu.memory_space<hbm>>
      %dma_wait3A_164 = arith.constant 0 : i32
      %dma_wait3A_165 = tpu.memref_slice %arg2[%multiple_of3A_153, %dma_wait3A_164] : memref<16384x1024xf32, #tpu.memory_space<hbm>> -> memref<8x1024xf32, #tpu.memory_space<hbm>>
      tpu.wait_dma2 semaphore(%arg19 : memref<!tpu.dma_semaphore, #tpu.memory_space<semaphore_mem>>) src(%dma_wait3A_165 : memref<8x1024xf32, #tpu.memory_space<hbm>>) dst(%arg10 : memref<8x1024xf32, #tpu.memory_space<vmem>>)
      %mul3A_166 = arith.constant 8 : i32
      %mul3A_167 = arith.muli %add3A_145, %mul3A_166 : i32
      %add3A_168 = arith.addi %mul3A_2, %mul3A_167 : i32
      %multiple_of3A_169 = tpu.assume_multiple %add3A_168, 8 : i32
      %add3A_170 = arith.constant 8192 : i32
      %add3A_171 = arith.addi %add3A_170, %add3A_168 : i32
      %multiple_of3A_172 = tpu.assume_multiple %add3A_171, 8 : i32
      %dma_start3A_173 = arith.constant 0 : i32
      %dma_start3A_174 = tpu.memref_slice %arg4[%multiple_of3A_169, %dma_start3A_173] : memref<16384x1024xf32, #tpu.memory_space<hbm>> -> memref<8x1024xf32, #tpu.memory_space<hbm>>
      %dma_start3A_175 = arith.constant 0 : i32
      %dma_start3A_176 = tpu.memref_slice %arg4[%multiple_of3A_169, %dma_start3A_175] : memref<16384x1024xf32, #tpu.memory_space<hbm>> -> memref<8x1024xf32, #tpu.memory_space<hbm>>
      tpu.enqueue_dma source(%arg9 : memref<8x1024xf32, #tpu.memory_space<vmem>>) target(%dma_start3A_176 : memref<8x1024xf32, #tpu.memory_space<hbm>>) target_semaphore(%arg20 : memref<!tpu.dma_semaphore, #tpu.memory_space<semaphore_mem>>)
      %dma_start3A_177 = arith.constant 0 : i32
      %dma_start3A_178 = tpu.memref_slice %arg4[%multiple_of3A_172, %dma_start3A_177] : memref<16384x1024xf32, #tpu.memory_space<hbm>> -> memref<8x1024xf32, #tpu.memory_space<hbm>>
      %dma_start3A_179 = arith.constant 0 : i32
      %dma_start3A_180 = tpu.memref_slice %arg4[%multiple_of3A_172, %dma_start3A_179] : memref<16384x1024xf32, #tpu.memory_space<hbm>> -> memref<8x1024xf32, #tpu.memory_space<hbm>>
      tpu.enqueue_dma source(%arg10 : memref<8x1024xf32, #tpu.memory_space<vmem>>) target(%dma_start3A_180 : memref<8x1024xf32, #tpu.memory_space<hbm>>) target_semaphore(%arg20 : memref<!tpu.dma_semaphore, #tpu.memory_space<semaphore_mem>>)
      %add3A_181 = arith.constant 2 : i32
      %add3A_182 = arith.addi %add3A_145, %add3A_181 : i32
      %lt3A_183 = arith.constant 32 : i32
      %lt3A_184 = arith.cmpi slt, %add3A_182, %lt3A_183 : i32
      %convert_element_type3A_185 = arith.extui %lt3A_184 : i1 to i32
      %cond3A_186 = arith.constant 0 : i32
      %cond3A_187 = arith.cmpi ne, %convert_element_type3A_185, %cond3A_186 : i32
      scf.if %cond3A_187 {
        %add3A_276 = arith.constant 2 : i32
        %add3A_277 = arith.addi %add3A_145, %add3A_276 : i32
        %sub3A = arith.constant 4 : i32
        %sub3A_278 = arith.subi %add3A_277, %sub3A : i32
        %ge3A = arith.constant 0 : i32
        %ge3A_279 = arith.cmpi sge, %sub3A_278, %ge3A : i32
        %convert_element_type3A_280 = arith.extui %ge3A_279 : i1 to i32
        %cond3A_281 = arith.constant 0 : i32
        %cond3A_282 = arith.cmpi ne, %convert_element_type3A_280, %cond3A_281 : i32
        scf.if %cond3A_282 {
          %add3A_305 = arith.constant 2 : i32
          %add3A_306 = arith.addi %add3A_145, %add3A_305 : i32
          %sub3A_307 = arith.constant 4 : i32
          %sub3A_308 = arith.subi %add3A_306, %sub3A_307 : i32
          %mul3A_309 = arith.constant 8 : i32
          %mul3A_310 = arith.muli %sub3A_308, %mul3A_309 : i32
          %add3A_311 = arith.addi %mul3A_2, %mul3A_310 : i32
          %multiple_of3A_312 = tpu.assume_multiple %add3A_311, 8 : i32
          %add3A_313 = arith.constant 8192 : i32
          %add3A_314 = arith.addi %add3A_313, %add3A_311 : i32
          %multiple_of3A_315 = tpu.assume_multiple %add3A_314, 8 : i32
          %dma_wait3A_316 = arith.constant 0 : i32
          %dma_wait3A_317 = tpu.memref_slice %arg4[%multiple_of3A_312, %dma_wait3A_316] : memref<16384x1024xf32, #tpu.memory_space<hbm>> -> memref<8x1024xf32, #tpu.memory_space<hbm>>
          %dma_wait3A_318 = arith.constant 0 : i32
          %dma_wait3A_319 = tpu.memref_slice %arg4[%multiple_of3A_312, %dma_wait3A_318] : memref<16384x1024xf32, #tpu.memory_space<hbm>> -> memref<8x1024xf32, #tpu.memory_space<hbm>>
          tpu.wait_dma2 semaphore(%arg24 : memref<!tpu.dma_semaphore, #tpu.memory_space<semaphore_mem>>) src(%arg15 : memref<8x1024xf32, #tpu.memory_space<vmem>>) dst(%dma_wait3A_319 : memref<8x1024xf32, #tpu.memory_space<hbm>>)
          %dma_wait3A_320 = arith.constant 0 : i32
          %dma_wait3A_321 = tpu.memref_slice %arg4[%multiple_of3A_315, %dma_wait3A_320] : memref<16384x1024xf32, #tpu.memory_space<hbm>> -> memref<8x1024xf32, #tpu.memory_space<hbm>>
          %dma_wait3A_322 = arith.constant 0 : i32
          %dma_wait3A_323 = tpu.memref_slice %arg4[%multiple_of3A_315, %dma_wait3A_322] : memref<16384x1024xf32, #tpu.memory_space<hbm>> -> memref<8x1024xf32, #tpu.memory_space<hbm>>
          tpu.wait_dma2 semaphore(%arg24 : memref<!tpu.dma_semaphore, #tpu.memory_space<semaphore_mem>>) src(%arg16 : memref<8x1024xf32, #tpu.memory_space<vmem>>) dst(%dma_wait3A_323 : memref<8x1024xf32, #tpu.memory_space<hbm>>)
        } else {
        }
        %add3A_283 = arith.constant 2 : i32
        %add3A_284 = arith.addi %add3A_145, %add3A_283 : i32
        %mul3A_285 = arith.constant 8 : i32
        %mul3A_286 = arith.muli %add3A_284, %mul3A_285 : i32
        %add3A_287 = arith.addi %mul3A_2, %mul3A_286 : i32
        %multiple_of3A_288 = tpu.assume_multiple %add3A_287, 8 : i32
        %multiple_of3A_289 = tpu.assume_multiple %add3A_287, 8 : i32
        %add3A_290 = arith.constant 8192 : i32
        %add3A_291 = arith.addi %add3A_290, %add3A_287 : i32
        %multiple_of3A_292 = tpu.assume_multiple %add3A_291, 8 : i32
        %dma_start3A_293 = arith.constant 0 : i32
        %dma_start3A_294 = tpu.memref_slice %arg3[%multiple_of3A_288, %dma_start3A_293] : memref<8192x1024xf32, #tpu.memory_space<hbm>> -> memref<8x1024xf32, #tpu.memory_space<hbm>>
        %dma_start3A_295 = arith.constant 0 : i32
        %dma_start3A_296 = tpu.memref_slice %arg3[%multiple_of3A_288, %dma_start3A_295] : memref<8192x1024xf32, #tpu.memory_space<hbm>> -> memref<8x1024xf32, #tpu.memory_space<hbm>>
        tpu.enqueue_dma source(%dma_start3A_296 : memref<8x1024xf32, #tpu.memory_space<hbm>>) target(%arg14 : memref<8x1024xf32, #tpu.memory_space<vmem>>) target_semaphore(%arg23 : memref<!tpu.dma_semaphore, #tpu.memory_space<semaphore_mem>>)
        %dma_start3A_297 = arith.constant 0 : i32
        %dma_start3A_298 = tpu.memref_slice %arg2[%multiple_of3A_289, %dma_start3A_297] : memref<16384x1024xf32, #tpu.memory_space<hbm>> -> memref<8x1024xf32, #tpu.memory_space<hbm>>
        %dma_start3A_299 = arith.constant 0 : i32
        %dma_start3A_300 = tpu.memref_slice %arg2[%multiple_of3A_289, %dma_start3A_299] : memref<16384x1024xf32, #tpu.memory_space<hbm>> -> memref<8x1024xf32, #tpu.memory_space<hbm>>
        tpu.enqueue_dma source(%dma_start3A_300 : memref<8x1024xf32, #tpu.memory_space<hbm>>) target(%arg15 : memref<8x1024xf32, #tpu.memory_space<vmem>>) target_semaphore(%arg23 : memref<!tpu.dma_semaphore, #tpu.memory_space<semaphore_mem>>)
        %dma_start3A_301 = arith.constant 0 : i32
        %dma_start3A_302 = tpu.memref_slice %arg2[%multiple_of3A_292, %dma_start3A_301] : memref<16384x1024xf32, #tpu.memory_space<hbm>> -> memref<8x1024xf32, #tpu.memory_space<hbm>>
        %dma_start3A_303 = arith.constant 0 : i32
        %dma_start3A_304 = tpu.memref_slice %arg2[%multiple_of3A_292, %dma_start3A_303] : memref<16384x1024xf32, #tpu.memory_space<hbm>> -> memref<8x1024xf32, #tpu.memory_space<hbm>>
        tpu.enqueue_dma source(%dma_start3A_304 : memref<8x1024xf32, #tpu.memory_space<hbm>>) target(%arg16 : memref<8x1024xf32, #tpu.memory_space<vmem>>) target_semaphore(%arg23 : memref<!tpu.dma_semaphore, #tpu.memory_space<semaphore_mem>>)
      } else {
      }
      %add3A_188 = arith.constant 2 : i32
      %add3A_189 = arith.addi %add3A_102, %add3A_188 : i32
      %mul3A_190 = arith.constant 8 : i32
      %mul3A_191 = arith.muli %add3A_189, %mul3A_190 : i32
      %add3A_192 = arith.addi %mul3A_2, %mul3A_191 : i32
      %multiple_of3A_193 = tpu.assume_multiple %add3A_192, 8 : i32
      %multiple_of3A_194 = tpu.assume_multiple %add3A_192, 8 : i32
      %add3A_195 = arith.constant 8192 : i32
      %add3A_196 = arith.addi %add3A_195, %add3A_192 : i32
      %multiple_of3A_197 = tpu.assume_multiple %add3A_196, 8 : i32
      %dma_wait3A_198 = arith.constant 0 : i32
      %dma_wait3A_199 = tpu.memref_slice %arg3[%multiple_of3A_193, %dma_wait3A_198] : memref<8192x1024xf32, #tpu.memory_space<hbm>> -> memref<8x1024xf32, #tpu.memory_space<hbm>>
      %dma_wait3A_200 = arith.constant 0 : i32
      %dma_wait3A_201 = tpu.memref_slice %arg3[%multiple_of3A_193, %dma_wait3A_200] : memref<8192x1024xf32, #tpu.memory_space<hbm>> -> memref<8x1024xf32, #tpu.memory_space<hbm>>
      tpu.wait_dma2 semaphore(%arg21 : memref<!tpu.dma_semaphore, #tpu.memory_space<semaphore_mem>>) src(%dma_wait3A_201 : memref<8x1024xf32, #tpu.memory_space<hbm>>) dst(%arg11 : memref<8x1024xf32, #tpu.memory_space<vmem>>)
      %dma_wait3A_202 = arith.constant 0 : i32
      %dma_wait3A_203 = tpu.memref_slice %arg2[%multiple_of3A_194, %dma_wait3A_202] : memref<16384x1024xf32, #tpu.memory_space<hbm>> -> memref<8x1024xf32, #tpu.memory_space<hbm>>
      %dma_wait3A_204 = arith.constant 0 : i32
      %dma_wait3A_205 = tpu.memref_slice %arg2[%multiple_of3A_194, %dma_wait3A_204] : memref<16384x1024xf32, #tpu.memory_space<hbm>> -> memref<8x1024xf32, #tpu.memory_space<hbm>>
      tpu.wait_dma2 semaphore(%arg21 : memref<!tpu.dma_semaphore, #tpu.memory_space<semaphore_mem>>) src(%dma_wait3A_205 : memref<8x1024xf32, #tpu.memory_space<hbm>>) dst(%arg12 : memref<8x1024xf32, #tpu.memory_space<vmem>>)
      %dma_wait3A_206 = arith.constant 0 : i32
      %dma_wait3A_207 = tpu.memref_slice %arg2[%multiple_of3A_197, %dma_wait3A_206] : memref<16384x1024xf32, #tpu.memory_space<hbm>> -> memref<8x1024xf32, #tpu.memory_space<hbm>>
      %dma_wait3A_208 = arith.constant 0 : i32
      %dma_wait3A_209 = tpu.memref_slice %arg2[%multiple_of3A_197, %dma_wait3A_208] : memref<16384x1024xf32, #tpu.memory_space<hbm>> -> memref<8x1024xf32, #tpu.memory_space<hbm>>
      tpu.wait_dma2 semaphore(%arg21 : memref<!tpu.dma_semaphore, #tpu.memory_space<semaphore_mem>>) src(%dma_wait3A_209 : memref<8x1024xf32, #tpu.memory_space<hbm>>) dst(%arg13 : memref<8x1024xf32, #tpu.memory_space<vmem>>)
      %mul3A_210 = arith.constant 8 : i32
      %mul3A_211 = arith.muli %add3A_189, %mul3A_210 : i32
      %add3A_212 = arith.addi %mul3A_2, %mul3A_211 : i32
      %multiple_of3A_213 = tpu.assume_multiple %add3A_212, 8 : i32
      %add3A_214 = arith.constant 8192 : i32
      %add3A_215 = arith.addi %add3A_214, %add3A_212 : i32
      %multiple_of3A_216 = tpu.assume_multiple %add3A_215, 8 : i32
      %dma_start3A_217 = arith.constant 0 : i32
      %dma_start3A_218 = tpu.memref_slice %arg4[%multiple_of3A_213, %dma_start3A_217] : memref<16384x1024xf32, #tpu.memory_space<hbm>> -> memref<8x1024xf32, #tpu.memory_space<hbm>>
      %dma_start3A_219 = arith.constant 0 : i32
      %dma_start3A_220 = tpu.memref_slice %arg4[%multiple_of3A_213, %dma_start3A_219] : memref<16384x1024xf32, #tpu.memory_space<hbm>> -> memref<8x1024xf32, #tpu.memory_space<hbm>>
      tpu.enqueue_dma source(%arg12 : memref<8x1024xf32, #tpu.memory_space<vmem>>) target(%dma_start3A_220 : memref<8x1024xf32, #tpu.memory_space<hbm>>) target_semaphore(%arg22 : memref<!tpu.dma_semaphore, #tpu.memory_space<semaphore_mem>>)
      %dma_start3A_221 = arith.constant 0 : i32
      %dma_start3A_222 = tpu.memref_slice %arg4[%multiple_of3A_216, %dma_start3A_221] : memref<16384x1024xf32, #tpu.memory_space<hbm>> -> memref<8x1024xf32, #tpu.memory_space<hbm>>
      %dma_start3A_223 = arith.constant 0 : i32
      %dma_start3A_224 = tpu.memref_slice %arg4[%multiple_of3A_216, %dma_start3A_223] : memref<16384x1024xf32, #tpu.memory_space<hbm>> -> memref<8x1024xf32, #tpu.memory_space<hbm>>
      tpu.enqueue_dma source(%arg13 : memref<8x1024xf32, #tpu.memory_space<vmem>>) target(%dma_start3A_224 : memref<8x1024xf32, #tpu.memory_space<hbm>>) target_semaphore(%arg22 : memref<!tpu.dma_semaphore, #tpu.memory_space<semaphore_mem>>)
      %add3A_225 = arith.constant 2 : i32
      %add3A_226 = arith.addi %add3A_189, %add3A_225 : i32
      %lt3A_227 = arith.constant 32 : i32
      %lt3A_228 = arith.cmpi slt, %add3A_226, %lt3A_227 : i32
      %convert_element_type3A_229 = arith.extui %lt3A_228 : i1 to i32
      %cond3A_230 = arith.constant 0 : i32
      %cond3A_231 = arith.cmpi ne, %convert_element_type3A_229, %cond3A_230 : i32
      scf.if %cond3A_231 {
        %add3A_276 = arith.constant 2 : i32
        %add3A_277 = arith.addi %add3A_189, %add3A_276 : i32
        %sub3A = arith.constant 4 : i32
        %sub3A_278 = arith.subi %add3A_277, %sub3A : i32
        %ge3A = arith.constant 0 : i32
        %ge3A_279 = arith.cmpi sge, %sub3A_278, %ge3A : i32
        %convert_element_type3A_280 = arith.extui %ge3A_279 : i1 to i32
        %cond3A_281 = arith.constant 0 : i32
        %cond3A_282 = arith.cmpi ne, %convert_element_type3A_280, %cond3A_281 : i32
        scf.if %cond3A_282 {
          %add3A_305 = arith.constant 2 : i32
          %add3A_306 = arith.addi %add3A_189, %add3A_305 : i32
          %sub3A_307 = arith.constant 4 : i32
          %sub3A_308 = arith.subi %add3A_306, %sub3A_307 : i32
          %mul3A_309 = arith.constant 8 : i32
          %mul3A_310 = arith.muli %sub3A_308, %mul3A_309 : i32
          %add3A_311 = arith.addi %mul3A_2, %mul3A_310 : i32
          %multiple_of3A_312 = tpu.assume_multiple %add3A_311, 8 : i32
          %add3A_313 = arith.constant 8192 : i32
          %add3A_314 = arith.addi %add3A_313, %add3A_311 : i32
          %multiple_of3A_315 = tpu.assume_multiple %add3A_314, 8 : i32
          %dma_wait3A_316 = arith.constant 0 : i32
          %dma_wait3A_317 = tpu.memref_slice %arg4[%multiple_of3A_312, %dma_wait3A_316] : memref<16384x1024xf32, #tpu.memory_space<hbm>> -> memref<8x1024xf32, #tpu.memory_space<hbm>>
          %dma_wait3A_318 = arith.constant 0 : i32
          %dma_wait3A_319 = tpu.memref_slice %arg4[%multiple_of3A_312, %dma_wait3A_318] : memref<16384x1024xf32, #tpu.memory_space<hbm>> -> memref<8x1024xf32, #tpu.memory_space<hbm>>
          tpu.wait_dma2 semaphore(%arg18 : memref<!tpu.dma_semaphore, #tpu.memory_space<semaphore_mem>>) src(%arg6 : memref<8x1024xf32, #tpu.memory_space<vmem>>) dst(%dma_wait3A_319 : memref<8x1024xf32, #tpu.memory_space<hbm>>)
          %dma_wait3A_320 = arith.constant 0 : i32
          %dma_wait3A_321 = tpu.memref_slice %arg4[%multiple_of3A_315, %dma_wait3A_320] : memref<16384x1024xf32, #tpu.memory_space<hbm>> -> memref<8x1024xf32, #tpu.memory_space<hbm>>
          %dma_wait3A_322 = arith.constant 0 : i32
          %dma_wait3A_323 = tpu.memref_slice %arg4[%multiple_of3A_315, %dma_wait3A_322] : memref<16384x1024xf32, #tpu.memory_space<hbm>> -> memref<8x1024xf32, #tpu.memory_space<hbm>>
          tpu.wait_dma2 semaphore(%arg18 : memref<!tpu.dma_semaphore, #tpu.memory_space<semaphore_mem>>) src(%arg7 : memref<8x1024xf32, #tpu.memory_space<vmem>>) dst(%dma_wait3A_323 : memref<8x1024xf32, #tpu.memory_space<hbm>>)
        } else {
        }
        %add3A_283 = arith.constant 2 : i32
        %add3A_284 = arith.addi %add3A_189, %add3A_283 : i32
        %mul3A_285 = arith.constant 8 : i32
        %mul3A_286 = arith.muli %add3A_284, %mul3A_285 : i32
        %add3A_287 = arith.addi %mul3A_2, %mul3A_286 : i32
        %multiple_of3A_288 = tpu.assume_multiple %add3A_287, 8 : i32
        %multiple_of3A_289 = tpu.assume_multiple %add3A_287, 8 : i32
        %add3A_290 = arith.constant 8192 : i32
        %add3A_291 = arith.addi %add3A_290, %add3A_287 : i32
        %multiple_of3A_292 = tpu.assume_multiple %add3A_291, 8 : i32
        %dma_start3A_293 = arith.constant 0 : i32
        %dma_start3A_294 = tpu.memref_slice %arg3[%multiple_of3A_288, %dma_start3A_293] : memref<8192x1024xf32, #tpu.memory_space<hbm>> -> memref<8x1024xf32, #tpu.memory_space<hbm>>
        %dma_start3A_295 = arith.constant 0 : i32
        %dma_start3A_296 = tpu.memref_slice %arg3[%multiple_of3A_288, %dma_start3A_295] : memref<8192x1024xf32, #tpu.memory_space<hbm>> -> memref<8x1024xf32, #tpu.memory_space<hbm>>
        tpu.enqueue_dma source(%dma_start3A_296 : memref<8x1024xf32, #tpu.memory_space<hbm>>) target(%arg5 : memref<8x1024xf32, #tpu.memory_space<vmem>>) target_semaphore(%arg17 : memref<!tpu.dma_semaphore, #tpu.memory_space<semaphore_mem>>)
        %dma_start3A_297 = arith.constant 0 : i32
        %dma_start3A_298 = tpu.memref_slice %arg2[%multiple_of3A_289, %dma_start3A_297] : memref<16384x1024xf32, #tpu.memory_space<hbm>> -> memref<8x1024xf32, #tpu.memory_space<hbm>>
        %dma_start3A_299 = arith.constant 0 : i32
        %dma_start3A_300 = tpu.memref_slice %arg2[%multiple_of3A_289, %dma_start3A_299] : memref<16384x1024xf32, #tpu.memory_space<hbm>> -> memref<8x1024xf32, #tpu.memory_space<hbm>>
        tpu.enqueue_dma source(%dma_start3A_300 : memref<8x1024xf32, #tpu.memory_space<hbm>>) target(%arg6 : memref<8x1024xf32, #tpu.memory_space<vmem>>) target_semaphore(%arg17 : memref<!tpu.dma_semaphore, #tpu.memory_space<semaphore_mem>>)
        %dma_start3A_301 = arith.constant 0 : i32
        %dma_start3A_302 = tpu.memref_slice %arg2[%multiple_of3A_292, %dma_start3A_301] : memref<16384x1024xf32, #tpu.memory_space<hbm>> -> memref<8x1024xf32, #tpu.memory_space<hbm>>
        %dma_start3A_303 = arith.constant 0 : i32
        %dma_start3A_304 = tpu.memref_slice %arg2[%multiple_of3A_292, %dma_start3A_303] : memref<16384x1024xf32, #tpu.memory_space<hbm>> -> memref<8x1024xf32, #tpu.memory_space<hbm>>
        tpu.enqueue_dma source(%dma_start3A_304 : memref<8x1024xf32, #tpu.memory_space<hbm>>) target(%arg7 : memref<8x1024xf32, #tpu.memory_space<vmem>>) target_semaphore(%arg17 : memref<!tpu.dma_semaphore, #tpu.memory_space<semaphore_mem>>)
      } else {
      }
      %add3A_232 = arith.constant 3 : i32
      %add3A_233 = arith.addi %add3A_102, %add3A_232 : i32
      %mul3A_234 = arith.constant 8 : i32
      %mul3A_235 = arith.muli %add3A_233, %mul3A_234 : i32
      %add3A_236 = arith.addi %mul3A_2, %mul3A_235 : i32
      %multiple_of3A_237 = tpu.assume_multiple %add3A_236, 8 : i32
      %multiple_of3A_238 = tpu.assume_multiple %add3A_236, 8 : i32
      %add3A_239 = arith.constant 8192 : i32
      %add3A_240 = arith.addi %add3A_239, %add3A_236 : i32
      %multiple_of3A_241 = tpu.assume_multiple %add3A_240, 8 : i32
      %dma_wait3A_242 = arith.constant 0 : i32
      %dma_wait3A_243 = tpu.memref_slice %arg3[%multiple_of3A_237, %dma_wait3A_242] : memref<8192x1024xf32, #tpu.memory_space<hbm>> -> memref<8x1024xf32, #tpu.memory_space<hbm>>
      %dma_wait3A_244 = arith.constant 0 : i32
      %dma_wait3A_245 = tpu.memref_slice %arg3[%multiple_of3A_237, %dma_wait3A_244] : memref<8192x1024xf32, #tpu.memory_space<hbm>> -> memref<8x1024xf32, #tpu.memory_space<hbm>>
      tpu.wait_dma2 semaphore(%arg23 : memref<!tpu.dma_semaphore, #tpu.memory_space<semaphore_mem>>) src(%dma_wait3A_245 : memref<8x1024xf32, #tpu.memory_space<hbm>>) dst(%arg14 : memref<8x1024xf32, #tpu.memory_space<vmem>>)
      %dma_wait3A_246 = arith.constant 0 : i32
      %dma_wait3A_247 = tpu.memref_slice %arg2[%multiple_of3A_238, %dma_wait3A_246] : memref<16384x1024xf32, #tpu.memory_space<hbm>> -> memref<8x1024xf32, #tpu.memory_space<hbm>>
      %dma_wait3A_248 = arith.constant 0 : i32
      %dma_wait3A_249 = tpu.memref_slice %arg2[%multiple_of3A_238, %dma_wait3A_248] : memref<16384x1024xf32, #tpu.memory_space<hbm>> -> memref<8x1024xf32, #tpu.memory_space<hbm>>
      tpu.wait_dma2 semaphore(%arg23 : memref<!tpu.dma_semaphore, #tpu.memory_space<semaphore_mem>>) src(%dma_wait3A_249 : memref<8x1024xf32, #tpu.memory_space<hbm>>) dst(%arg15 : memref<8x1024xf32, #tpu.memory_space<vmem>>)
      %dma_wait3A_250 = arith.constant 0 : i32
      %dma_wait3A_251 = tpu.memref_slice %arg2[%multiple_of3A_241, %dma_wait3A_250] : memref<16384x1024xf32, #tpu.memory_space<hbm>> -> memref<8x1024xf32, #tpu.memory_space<hbm>>
      %dma_wait3A_252 = arith.constant 0 : i32
      %dma_wait3A_253 = tpu.memref_slice %arg2[%multiple_of3A_241, %dma_wait3A_252] : memref<16384x1024xf32, #tpu.memory_space<hbm>> -> memref<8x1024xf32, #tpu.memory_space<hbm>>
      tpu.wait_dma2 semaphore(%arg23 : memref<!tpu.dma_semaphore, #tpu.memory_space<semaphore_mem>>) src(%dma_wait3A_253 : memref<8x1024xf32, #tpu.memory_space<hbm>>) dst(%arg16 : memref<8x1024xf32, #tpu.memory_space<vmem>>)
      %mul3A_254 = arith.constant 8 : i32
      %mul3A_255 = arith.muli %add3A_233, %mul3A_254 : i32
      %add3A_256 = arith.addi %mul3A_2, %mul3A_255 : i32
      %multiple_of3A_257 = tpu.assume_multiple %add3A_256, 8 : i32
      %add3A_258 = arith.constant 8192 : i32
      %add3A_259 = arith.addi %add3A_258, %add3A_256 : i32
      %multiple_of3A_260 = tpu.assume_multiple %add3A_259, 8 : i32
      %dma_start3A_261 = arith.constant 0 : i32
      %dma_start3A_262 = tpu.memref_slice %arg4[%multiple_of3A_257, %dma_start3A_261] : memref<16384x1024xf32, #tpu.memory_space<hbm>> -> memref<8x1024xf32, #tpu.memory_space<hbm>>
      %dma_start3A_263 = arith.constant 0 : i32
      %dma_start3A_264 = tpu.memref_slice %arg4[%multiple_of3A_257, %dma_start3A_263] : memref<16384x1024xf32, #tpu.memory_space<hbm>> -> memref<8x1024xf32, #tpu.memory_space<hbm>>
      tpu.enqueue_dma source(%arg15 : memref<8x1024xf32, #tpu.memory_space<vmem>>) target(%dma_start3A_264 : memref<8x1024xf32, #tpu.memory_space<hbm>>) target_semaphore(%arg24 : memref<!tpu.dma_semaphore, #tpu.memory_space<semaphore_mem>>)
      %dma_start3A_265 = arith.constant 0 : i32
      %dma_start3A_266 = tpu.memref_slice %arg4[%multiple_of3A_260, %dma_start3A_265] : memref<16384x1024xf32, #tpu.memory_space<hbm>> -> memref<8x1024xf32, #tpu.memory_space<hbm>>
      %dma_start3A_267 = arith.constant 0 : i32
      %dma_start3A_268 = tpu.memref_slice %arg4[%multiple_of3A_260, %dma_start3A_267] : memref<16384x1024xf32, #tpu.memory_space<hbm>> -> memref<8x1024xf32, #tpu.memory_space<hbm>>
      tpu.enqueue_dma source(%arg16 : memref<8x1024xf32, #tpu.memory_space<vmem>>) target(%dma_start3A_268 : memref<8x1024xf32, #tpu.memory_space<hbm>>) target_semaphore(%arg24 : memref<!tpu.dma_semaphore, #tpu.memory_space<semaphore_mem>>)
      %add3A_269 = arith.constant 2 : i32
      %add3A_270 = arith.addi %add3A_233, %add3A_269 : i32
      %lt3A_271 = arith.constant 32 : i32
      %lt3A_272 = arith.cmpi slt, %add3A_270, %lt3A_271 : i32
      %convert_element_type3A_273 = arith.extui %lt3A_272 : i1 to i32
      %cond3A_274 = arith.constant 0 : i32
      %cond3A_275 = arith.cmpi ne, %convert_element_type3A_273, %cond3A_274 : i32
      scf.if %cond3A_275 {
        %add3A_276 = arith.constant 2 : i32
        %add3A_277 = arith.addi %add3A_233, %add3A_276 : i32
        %sub3A = arith.constant 4 : i32
        %sub3A_278 = arith.subi %add3A_277, %sub3A : i32
        %ge3A = arith.constant 0 : i32
        %ge3A_279 = arith.cmpi sge, %sub3A_278, %ge3A : i32
        %convert_element_type3A_280 = arith.extui %ge3A_279 : i1 to i32
        %cond3A_281 = arith.constant 0 : i32
        %cond3A_282 = arith.cmpi ne, %convert_element_type3A_280, %cond3A_281 : i32
        scf.if %cond3A_282 {
          %add3A_305 = arith.constant 2 : i32
          %add3A_306 = arith.addi %add3A_233, %add3A_305 : i32
          %sub3A_307 = arith.constant 4 : i32
          %sub3A_308 = arith.subi %add3A_306, %sub3A_307 : i32
          %mul3A_309 = arith.constant 8 : i32
          %mul3A_310 = arith.muli %sub3A_308, %mul3A_309 : i32
          %add3A_311 = arith.addi %mul3A_2, %mul3A_310 : i32
          %multiple_of3A_312 = tpu.assume_multiple %add3A_311, 8 : i32
          %add3A_313 = arith.constant 8192 : i32
          %add3A_314 = arith.addi %add3A_313, %add3A_311 : i32
          %multiple_of3A_315 = tpu.assume_multiple %add3A_314, 8 : i32
          %dma_wait3A_316 = arith.constant 0 : i32
          %dma_wait3A_317 = tpu.memref_slice %arg4[%multiple_of3A_312, %dma_wait3A_316] : memref<16384x1024xf32, #tpu.memory_space<hbm>> -> memref<8x1024xf32, #tpu.memory_space<hbm>>
          %dma_wait3A_318 = arith.constant 0 : i32
          %dma_wait3A_319 = tpu.memref_slice %arg4[%multiple_of3A_312, %dma_wait3A_318] : memref<16384x1024xf32, #tpu.memory_space<hbm>> -> memref<8x1024xf32, #tpu.memory_space<hbm>>
          tpu.wait_dma2 semaphore(%arg20 : memref<!tpu.dma_semaphore, #tpu.memory_space<semaphore_mem>>) src(%arg9 : memref<8x1024xf32, #tpu.memory_space<vmem>>) dst(%dma_wait3A_319 : memref<8x1024xf32, #tpu.memory_space<hbm>>)
          %dma_wait3A_320 = arith.constant 0 : i32
          %dma_wait3A_321 = tpu.memref_slice %arg4[%multiple_of3A_315, %dma_wait3A_320] : memref<16384x1024xf32, #tpu.memory_space<hbm>> -> memref<8x1024xf32, #tpu.memory_space<hbm>>
          %dma_wait3A_322 = arith.constant 0 : i32
          %dma_wait3A_323 = tpu.memref_slice %arg4[%multiple_of3A_315, %dma_wait3A_322] : memref<16384x1024xf32, #tpu.memory_space<hbm>> -> memref<8x1024xf32, #tpu.memory_space<hbm>>
          tpu.wait_dma2 semaphore(%arg20 : memref<!tpu.dma_semaphore, #tpu.memory_space<semaphore_mem>>) src(%arg10 : memref<8x1024xf32, #tpu.memory_space<vmem>>) dst(%dma_wait3A_323 : memref<8x1024xf32, #tpu.memory_space<hbm>>)
        } else {
        }
        %add3A_283 = arith.constant 2 : i32
        %add3A_284 = arith.addi %add3A_233, %add3A_283 : i32
        %mul3A_285 = arith.constant 8 : i32
        %mul3A_286 = arith.muli %add3A_284, %mul3A_285 : i32
        %add3A_287 = arith.addi %mul3A_2, %mul3A_286 : i32
        %multiple_of3A_288 = tpu.assume_multiple %add3A_287, 8 : i32
        %multiple_of3A_289 = tpu.assume_multiple %add3A_287, 8 : i32
        %add3A_290 = arith.constant 8192 : i32
        %add3A_291 = arith.addi %add3A_290, %add3A_287 : i32
        %multiple_of3A_292 = tpu.assume_multiple %add3A_291, 8 : i32
        %dma_start3A_293 = arith.constant 0 : i32
        %dma_start3A_294 = tpu.memref_slice %arg3[%multiple_of3A_288, %dma_start3A_293] : memref<8192x1024xf32, #tpu.memory_space<hbm>> -> memref<8x1024xf32, #tpu.memory_space<hbm>>
        %dma_start3A_295 = arith.constant 0 : i32
        %dma_start3A_296 = tpu.memref_slice %arg3[%multiple_of3A_288, %dma_start3A_295] : memref<8192x1024xf32, #tpu.memory_space<hbm>> -> memref<8x1024xf32, #tpu.memory_space<hbm>>
        tpu.enqueue_dma source(%dma_start3A_296 : memref<8x1024xf32, #tpu.memory_space<hbm>>) target(%arg8 : memref<8x1024xf32, #tpu.memory_space<vmem>>) target_semaphore(%arg19 : memref<!tpu.dma_semaphore, #tpu.memory_space<semaphore_mem>>)
        %dma_start3A_297 = arith.constant 0 : i32
        %dma_start3A_298 = tpu.memref_slice %arg2[%multiple_of3A_289, %dma_start3A_297] : memref<16384x1024xf32, #tpu.memory_space<hbm>> -> memref<8x1024xf32, #tpu.memory_space<hbm>>
        %dma_start3A_299 = arith.constant 0 : i32
        %dma_start3A_300 = tpu.memref_slice %arg2[%multiple_of3A_289, %dma_start3A_299] : memref<16384x1024xf32, #tpu.memory_space<hbm>> -> memref<8x1024xf32, #tpu.memory_space<hbm>>
        tpu.enqueue_dma source(%dma_start3A_300 : memref<8x1024xf32, #tpu.memory_space<hbm>>) target(%arg9 : memref<8x1024xf32, #tpu.memory_space<vmem>>) target_semaphore(%arg19 : memref<!tpu.dma_semaphore, #tpu.memory_space<semaphore_mem>>)
        %dma_start3A_301 = arith.constant 0 : i32
        %dma_start3A_302 = tpu.memref_slice %arg2[%multiple_of3A_292, %dma_start3A_301] : memref<16384x1024xf32, #tpu.memory_space<hbm>> -> memref<8x1024xf32, #tpu.memory_space<hbm>>
        %dma_start3A_303 = arith.constant 0 : i32
        %dma_start3A_304 = tpu.memref_slice %arg2[%multiple_of3A_292, %dma_start3A_303] : memref<16384x1024xf32, #tpu.memory_space<hbm>> -> memref<8x1024xf32, #tpu.memory_space<hbm>>
        tpu.enqueue_dma source(%dma_start3A_304 : memref<8x1024xf32, #tpu.memory_space<hbm>>) target(%arg10 : memref<8x1024xf32, #tpu.memory_space<vmem>>) target_semaphore(%arg19 : memref<!tpu.dma_semaphore, #tpu.memory_space<semaphore_mem>>)
      } else {
      }
    }
    %scan3A_42 = arith.constant 8 : i32
    %add3A_43 = arith.constant 224 : i32
    %add3A_44 = arith.addi %mul3A_2, %add3A_43 : i32
    %multiple_of3A_45 = tpu.assume_multiple %add3A_44, 8 : i32
    %add3A_46 = arith.constant 8192 : i32
    %add3A_47 = arith.addi %add3A_46, %add3A_44 : i32
    %multiple_of3A_48 = tpu.assume_multiple %add3A_47, 8 : i32
    %dma_wait3A = arith.constant 0 : i32
    %dma_wait3A_49 = tpu.memref_slice %arg4[%multiple_of3A_45, %dma_wait3A] : memref<16384x1024xf32, #tpu.memory_space<hbm>> -> memref<8x1024xf32, #tpu.memory_space<hbm>>
    %dma_wait3A_50 = arith.constant 0 : i32
    %dma_wait3A_51 = tpu.memref_slice %arg4[%multiple_of3A_45, %dma_wait3A_50] : memref<16384x1024xf32, #tpu.memory_space<hbm>> -> memref<8x1024xf32, #tpu.memory_space<hbm>>
    tpu.wait_dma2 semaphore(%arg18 : memref<!tpu.dma_semaphore, #tpu.memory_space<semaphore_mem>>) src(%arg6 : memref<8x1024xf32, #tpu.memory_space<vmem>>) dst(%dma_wait3A_51 : memref<8x1024xf32, #tpu.memory_space<hbm>>)
    %dma_wait3A_52 = arith.constant 0 : i32
    %dma_wait3A_53 = tpu.memref_slice %arg4[%multiple_of3A_48, %dma_wait3A_52] : memref<16384x1024xf32, #tpu.memory_space<hbm>> -> memref<8x1024xf32, #tpu.memory_space<hbm>>
    %dma_wait3A_54 = arith.constant 0 : i32
    %dma_wait3A_55 = tpu.memref_slice %arg4[%multiple_of3A_48, %dma_wait3A_54] : memref<16384x1024xf32, #tpu.memory_space<hbm>> -> memref<8x1024xf32, #tpu.memory_space<hbm>>
    tpu.wait_dma2 semaphore(%arg18 : memref<!tpu.dma_semaphore, #tpu.memory_space<semaphore_mem>>) src(%arg7 : memref<8x1024xf32, #tpu.memory_space<vmem>>) dst(%dma_wait3A_55 : memref<8x1024xf32, #tpu.memory_space<hbm>>)
    %add3A_56 = arith.constant 232 : i32
    %add3A_57 = arith.addi %mul3A_2, %add3A_56 : i32
    %multiple_of3A_58 = tpu.assume_multiple %add3A_57, 8 : i32
    %add3A_59 = arith.constant 8192 : i32
    %add3A_60 = arith.addi %add3A_59, %add3A_57 : i32
    %multiple_of3A_61 = tpu.assume_multiple %add3A_60, 8 : i32
    %dma_wait3A_62 = arith.constant 0 : i32
    %dma_wait3A_63 = tpu.memref_slice %arg4[%multiple_of3A_58, %dma_wait3A_62] : memref<16384x1024xf32, #tpu.memory_space<hbm>> -> memref<8x1024xf32, #tpu.memory_space<hbm>>
    %dma_wait3A_64 = arith.constant 0 : i32
    %dma_wait3A_65 = tpu.memref_slice %arg4[%multiple_of3A_58, %dma_wait3A_64] : memref<16384x1024xf32, #tpu.memory_space<hbm>> -> memref<8x1024xf32, #tpu.memory_space<hbm>>
    tpu.wait_dma2 semaphore(%arg20 : memref<!tpu.dma_semaphore, #tpu.memory_space<semaphore_mem>>) src(%arg9 : memref<8x1024xf32, #tpu.memory_space<vmem>>) dst(%dma_wait3A_65 : memref<8x1024xf32, #tpu.memory_space<hbm>>)
    %dma_wait3A_66 = arith.constant 0 : i32
    %dma_wait3A_67 = tpu.memref_slice %arg4[%multiple_of3A_61, %dma_wait3A_66] : memref<16384x1024xf32, #tpu.memory_space<hbm>> -> memref<8x1024xf32, #tpu.memory_space<hbm>>
    %dma_wait3A_68 = arith.constant 0 : i32
    %dma_wait3A_69 = tpu.memref_slice %arg4[%multiple_of3A_61, %dma_wait3A_68] : memref<16384x1024xf32, #tpu.memory_space<hbm>> -> memref<8x1024xf32, #tpu.memory_space<hbm>>
    tpu.wait_dma2 semaphore(%arg20 : memref<!tpu.dma_semaphore, #tpu.memory_space<semaphore_mem>>) src(%arg10 : memref<8x1024xf32, #tpu.memory_space<vmem>>) dst(%dma_wait3A_69 : memref<8x1024xf32, #tpu.memory_space<hbm>>)
    %add3A_70 = arith.constant 240 : i32
    %add3A_71 = arith.addi %mul3A_2, %add3A_70 : i32
    %multiple_of3A_72 = tpu.assume_multiple %add3A_71, 8 : i32
    %add3A_73 = arith.constant 8192 : i32
    %add3A_74 = arith.addi %add3A_73, %add3A_71 : i32
    %multiple_of3A_75 = tpu.assume_multiple %add3A_74, 8 : i32
    %dma_wait3A_76 = arith.constant 0 : i32
    %dma_wait3A_77 = tpu.memref_slice %arg4[%multiple_of3A_72, %dma_wait3A_76] : memref<16384x1024xf32, #tpu.memory_space<hbm>> -> memref<8x1024xf32, #tpu.memory_space<hbm>>
    %dma_wait3A_78 = arith.constant 0 : i32
    %dma_wait3A_79 = tpu.memref_slice %arg4[%multiple_of3A_72, %dma_wait3A_78] : memref<16384x1024xf32, #tpu.memory_space<hbm>> -> memref<8x1024xf32, #tpu.memory_space<hbm>>
    tpu.wait_dma2 semaphore(%arg22 : memref<!tpu.dma_semaphore, #tpu.memory_space<semaphore_mem>>) src(%arg12 : memref<8x1024xf32, #tpu.memory_space<vmem>>) dst(%dma_wait3A_79 : memref<8x1024xf32, #tpu.memory_space<hbm>>)
    %dma_wait3A_80 = arith.constant 0 : i32
    %dma_wait3A_81 = tpu.memref_slice %arg4[%multiple_of3A_75, %dma_wait3A_80] : memref<16384x1024xf32, #tpu.memory_space<hbm>> -> memref<8x1024xf32, #tpu.memory_space<hbm>>
    %dma_wait3A_82 = arith.constant 0 : i32
    %dma_wait3A_83 = tpu.memref_slice %arg4[%multiple_of3A_75, %dma_wait3A_82] : memref<16384x1024xf32, #tpu.memory_space<hbm>> -> memref<8x1024xf32, #tpu.memory_space<hbm>>
    tpu.wait_dma2 semaphore(%arg22 : memref<!tpu.dma_semaphore, #tpu.memory_space<semaphore_mem>>) src(%arg13 : memref<8x1024xf32, #tpu.memory_space<vmem>>) dst(%dma_wait3A_83 : memref<8x1024xf32, #tpu.memory_space<hbm>>)
    %add3A_84 = arith.constant 248 : i32
    %add3A_85 = arith.addi %mul3A_2, %add3A_84 : i32
    %multiple_of3A_86 = tpu.assume_multiple %add3A_85, 8 : i32
    %add3A_87 = arith.constant 8192 : i32
    %add3A_88 = arith.addi %add3A_87, %add3A_85 : i32
    %multiple_of3A_89 = tpu.assume_multiple %add3A_88, 8 : i32
    %dma_wait3A_90 = arith.constant 0 : i32
    %dma_wait3A_91 = tpu.memref_slice %arg4[%multiple_of3A_86, %dma_wait3A_90] : memref<16384x1024xf32, #tpu.memory_space<hbm>> -> memref<8x1024xf32, #tpu.memory_space<hbm>>
    %dma_wait3A_92 = arith.constant 0 : i32
    %dma_wait3A_93 = tpu.memref_slice %arg4[%multiple_of3A_86, %dma_wait3A_92] : memref<16384x1024xf32, #tpu.memory_space<hbm>> -> memref<8x1024xf32, #tpu.memory_space<hbm>>
    tpu.wait_dma2 semaphore(%arg24 : memref<!tpu.dma_semaphore, #tpu.memory_space<semaphore_mem>>) src(%arg15 : memref<8x1024xf32, #tpu.memory_space<vmem>>) dst(%dma_wait3A_93 : memref<8x1024xf32, #tpu.memory_space<hbm>>)
    %dma_wait3A_94 = arith.constant 0 : i32
    %dma_wait3A_95 = tpu.memref_slice %arg4[%multiple_of3A_89, %dma_wait3A_94] : memref<16384x1024xf32, #tpu.memory_space<hbm>> -> memref<8x1024xf32, #tpu.memory_space<hbm>>
    %dma_wait3A_96 = arith.constant 0 : i32
    %dma_wait3A_97 = tpu.memref_slice %arg4[%multiple_of3A_89, %dma_wait3A_96] : memref<16384x1024xf32, #tpu.memory_space<hbm>> -> memref<8x1024xf32, #tpu.memory_space<hbm>>
    tpu.wait_dma2 semaphore(%arg24 : memref<!tpu.dma_semaphore, #tpu.memory_space<semaphore_mem>>) src(%arg16 : memref<8x1024xf32, #tpu.memory_space<vmem>>) dst(%dma_wait3A_97 : memref<8x1024xf32, #tpu.memory_space<hbm>>)
    return
  }
}

</mosaic_0001>

<sc_bundles>
// kernel: kernel.3.cloned.1.call-start
scs
__scs_entry_jumppad:
0x0: {  	(pc) =	sbr.rel $0x88, $3  }
0x1: {  	(tag) =	ssettag $0x0;
	lr =	simm.s32 $0x1  }
0x2: {  	[smem:$0x3F9F] =	sst lr;
	_ =	strace $0xD0000000  }
0x3: {  	_ = 	snop  }
0x4: {  	_ = 	snop  }
0x5: {  	_ = 	snop  }
0x6: {  	_ = 	snop  }
0x7: {  	_ = 	snop  }
__scs_overlays_trampoline_lowered:
0x8: {  	[smem:$0x3FAE] =	sst s0  }
0x9: {  	[smem:$0x3FAF] =	sst s1  }
0xa: {  	[smem:$0x3FB0] =	sst s2  }
0xb: {  	[smem:$0x3FB1] =	sst s3  }
0xc: {  	[smem:$0x3FB2] =	sst s4  }
0xd: {  	[smem:$0x3FB3] =	sst s5  }
0xe: {  	[smem:$0x3FB4] =	sst s6  }
0xf: {  	[smem:$0x3FB5] =	sst s7  }
0x10: {  	[smem:$0x3FB6] =	sst s8  }
0x11: {  	[smem:$0x3FB7] =	sst s9;
	s0 =	simm.s32 @!p0 $0x0  }
0x12: {  	s1 =	sld [smem:$0x3F9D];
	s0 =	simm.s32 @p0 $0x1  }
0x13: {  	[smem:$0x3FB8] =	sst s0;
	s0 =	simm.s32 @!p1 $0x0  }
0x14: {  	s2 =	sld [smem:$0x3F9C];
	s0 =	simm.s32 @p1 $0x1  }
0x15: {  	[smem:$0x3FB9] =	sst s0;
	s0 =	simm.s32 @!p2 $0x0  }
0x16: {  	s3 =	sld [smem:$0x3FDB];
	s0 =	simm.s32 @p2 $0x1  }
0x17: {  	s4 =	simm.s32 $0x1BF5;
	[smem:$0x3FBB] =	sst s0  }
0x18: {  	s0 =	sld [smem:$0x3F9E];
	_ =	swait.ge [sflag:s4], $0x0  }
0x19: {  	s7 =	sld [smem:$0x3F9F]  }
0x1a: {  	s8 =	sadd.s32 $0xFFFFE003, lr  }
0x1b: {  	s9 =	sadd.s32 $0xFFFFFEF7, lr;
	s5 =	simm.s32 $0xFFFFFFFF;
	p2 =	slt.u32 s8, $0xFFFFF086  }
0x1c: {  	p1 =	slt.u32 s9, $0xF7A;
	s5 =	simm.s32 @!p2 $0x0  }
0x1d: {  	s5 =	simm.s32 @p1 $0x1;
	p0 =	seq.s32 s7, s2  }
0x1e: {  	s7 =	smul.u32 @!p0 $0xF7A, s2;
	p2 =	seq.s32 @!p0 s5, $0x0  }
0x1f: {  	s9 =	smul.u32 $0xF7A, s1;
	s8 =	simm.s32 @!p0 $0x1BF5;
	p2 =	por !p2, p0  }
0x20: {  	[sflag:s8] =	ssyncset.s32 @!p0 $0xFFFFF086;
	s6 =	sadd.s32 @!p0 s3, s7;
	s7 =	simm.s32 @!p0 $0x108  }
0x21: {  	s3 =	sadd.s32 s3, s9;
	s6 =	sadd.s32 @!p0 $0x88, s6;
	s7 =	simm.s32 @p2 $0x1082  }
0x22: {  	[simem:s7], [sflag:s8] =	dma.local @!p0 [hbm:s6], $0xF7A  }
0x23: {  	s9 =	sor.u32 $0xD0000000, s2;
	s6 =	simm.s32 $0x108;
	_ =	swait.ge @!p0 [sflag:s8], $0x0  }
0x24: {  	s3 =	sadd.s32 $0x88, s3;
	s6 =	simm.s32 @!p1 $0x1082;
	[sflag:s4] =	ssyncset.s32 $0xFFFFF086  }
0x25: {  	[simem:s6], [sflag:s4] =	dma.local [hbm:s3], $0xF7A  }
0x26: {  	[smem:$0x3F9F] =	sst s1;
	(tag) =	ssettag s2;
	_ =	strace s9  }
0x27: {  	s1 =	sld [smem:$0x3FAF]  }
0x28: {  	s2 =	sld [smem:$0x3FB0]  }
0x29: {  	s4 =	sld [smem:$0x3FB2]  }
0x2a: {  	p0 =	seq.s32 s5, $0x0;
	s5 =	sld [smem:$0x3FB3]  }
0x2b: {  	s6 =	sld [smem:$0x3FB4]  }
0x2c: {  	s7 =	sld [smem:$0x3FB5]  }
0x2d: {  	s3 =	simm.s32 $0x108;
	s8 =	sld [smem:$0x3FB6]  }
0x2e: {  	s3 =	simm.s32 @!p0 $0x1082;
	s9 =	sld [smem:$0x3FB7]  }
0x2f: {  	lr =	sadd.s32 s0, s3;
	s0 =	sld [smem:$0x3FAE]  }
0x30: {  	s3 =	sld [smem:$0x3FB1]  }
0x31: {  	[smem:$0x3FBA] =	sst s10  }
0x32: {  	s10 =	sld [smem:$0x3FB8];
	_ =	sdelay $0x3  }
0x33: {  	p0 =	seq.s32 s10, $0x1;
	s10 =	sld [smem:$0x3FBA];
	_ =	sdelay $0x3  }
0x34: {  	[smem:$0x3FBA] =	sst s10  }
0x35: {  	s10 =	sld [smem:$0x3FB9];
	_ =	sdelay $0x3  }
0x36: {  	p1 =	seq.s32 s10, $0x1;
	s10 =	sld [smem:$0x3FBA];
	_ =	sdelay $0x3  }
0x37: {  	[smem:$0x3FBA] =	sst s10  }
0x38: {  	s10 =	sld [smem:$0x3FBB]  }
0x39: {  	_ = 	snop;
	(pc) =	sbr.ind lr, $3  }
0x3a: {  	_ = 	snop  }
0x3b: {  	_ = 	snop  }
0x3c: {  	p2 =	seq.s32 s10, $0x1;
	s10 =	sld [smem:$0x3FBA]  }
0x3d: {  	_ =	shalt  }
0x3e: {  	_ =	shalt  }
0x3f: {  	_ =	shalt  }
0x40: {  	_ =	shalt  }
0x41: {  	_ =	shalt  }
0x42: {  	_ =	shalt  }
0x43: {  	_ =	shalt  }
0x44: {  	_ =	shalt  }
0x45: {  	_ =	shalt  }
0x46: {  	_ =	shalt  }
0x47: {  	_ =	shalt  }
0x48: {  	_ =	shalt  }
0x49: {  	_ =	shalt  }
0x4a: {  	_ =	shalt  }
0x4b: {  	_ =	shalt  }
0x4c: {  	_ =	shalt  }
0x4d: {  	_ =	shalt  }
0x4e: {  	_ =	shalt  }
0x4f: {  	_ =	shalt  }
0x50: {  	_ =	shalt  }
0x51: {  	_ =	shalt  }
0x52: {  	_ =	shalt  }
0x53: {  	_ =	shalt  }
0x54: {  	_ =	shalt  }
0x55: {  	_ =	shalt  }
0x56: {  	_ =	shalt  }
0x57: {  	_ =	shalt  }
0x58: {  	_ =	shalt  }
0x59: {  	_ =	shalt  }
0x5a: {  	_ =	shalt  }
0x5b: {  	_ =	shalt  }
0x5c: {  	_ =	shalt  }
0x5d: {  	_ =	shalt  }
0x5e: {  	_ =	shalt  }
0x5f: {  	_ =	shalt  }
0x60: {  	_ =	shalt  }
0x61: {  	_ =	shalt  }
0x62: {  	_ =	shalt  }
0x63: {  	_ =	shalt  }
0x64: {  	_ =	shalt  }
0x65: {  	_ =	shalt  }
0x66: {  	_ =	shalt  }
0x67: {  	_ =	shalt  }
0x68: {  	_ =	shalt  }
0x69: {  	_ =	shalt  }
0x6a: {  	_ =	shalt  }
0x6b: {  	_ =	shalt  }
0x6c: {  	_ =	shalt  }
0x6d: {  	_ =	shalt  }
0x6e: {  	_ =	shalt  }
0x6f: {  	_ =	shalt  }
0x70: {  	_ =	shalt  }
0x71: {  	_ =	shalt  }
0x72: {  	_ =	shalt  }
0x73: {  	_ =	shalt  }
0x74: {  	_ =	shalt  }
0x75: {  	_ =	shalt  }
0x76: {  	_ =	shalt  }
0x77: {  	_ =	shalt  }
0x78: {  	_ =	shalt  }
0x79: {  	_ =	shalt  }
0x7a: {  	_ =	shalt  }
0x7b: {  	_ =	shalt  }
0x7c: {  	_ =	shalt  }
0x7d: {  	_ =	shalt  }
0x7e: {  	_ =	shalt  }
0x7f: {  	_ =	shalt  }
0x80: {  	_ =	shalt  }
0x81: {  	_ =	shalt  }
0x82: {  	_ =	shalt  }
0x83: {  	_ =	shalt  }
0x84: {  	_ =	shalt  }
0x85: {  	_ =	shalt  }
0x86: {  	_ =	shalt  }
0x87: {  	_ =	shalt  }
.Lfunc_end0:
.L_simem_size_0:
called_computation_lowered:
.L_overlay_start_0:
0x88: {  	s2 =	sld [smem:$0x3FD9]  }
0x89: {  	s3 =	sld [smem:$0x3FFE];
	_ =	sdelay $0x1  }
0x8a: {  	s1 =	srdreg.scid  }
0x8b: {  	s0 =	sand.u32 $0x1, s1  }
0x8c: {  	s18 =	sshll.u32 s0, $0xA;
	s2 =	sadd.s32 s3, s2  }
0x8d: {  	s2 =	sadd.s32 s2, s18  }
0x8e: {  	[smem:$0x3FC6] =	sst s2  }
0x8f: {  	_ = 	snop  }
0x90: {  	s2 =	sld [smem:$0x3FC9]  }
0x91: {  	s19 =	sld [smem:$0x3FC8]  }
0x92: {  	s4 =	sld [smem:$0x3FD0];
	(tm) =	ssettm $0x1  }
0x93: {  	s5 =	sld [smem:$0x3FFB];
	_ =	sdelay $0x3  }
0x94: {  	_ =	strace s5  }
0x95: {  	s5 =	sld [smem:$0x3FFC];
	_ =	sdelay $0x3  }
0x96: {  	_ =	strace s5  }
0x97: {  	s5 =	sld [smem:$0x3FFD];
	_ =	sdelay $0x3  }
0x98: {  	_ =	strace s5  }
0x99: {  	_ =	strace $0x8FFFFFFF  }
0x9a: {  	s20 =	sld [smem:$0x3FDB];
	_ =	sdelay $0x1  }
0x9b: {  	s6 =	simm.s32 $_scs_section_size  }
0x9c: {  	s7 =	simm.s32 $_size__tile_overlayer_lowered;
	s8 =	simm.s32 $_tile_overlayer_lowered  }
0x9d: {  	s23 =	simm.s32 $0x1BFF;
	s22 =	sshll.u32 s8, $0x1;
	s5 =	sadd.s32 s6, s20  }
0x9e: {  	s9 =	simm.s32 $0x0;
	s21 =	sshll.u32 s7, $0x1;
	s7 =	sadd.s32 s22, s5  }
0x9f: {  	[timem:s9], [sflag:s23] =	dma.local [hbm:s7], s21  }
0xa0: {  	_ =	swait.ge [sflag:s23], s21  }
0xa1: {  	s6 =	ssub.s32 $0x0, s21;
	[sflag:s23] =	ssyncset.done $0x0  }
0xa2: {  	[sflag:s23] =	ssyncadd.s32 s6;
	_ =	sdelay $0x1  }
0xa3: {  	s24 =	simm.s32 $0x1B8B  }
0xa4: {  	_ =	swait.ge [sflag:s24], $0x1  }
0xa5: {  	[sflag:s24] =	ssyncset.done $0x0  }
0xa6: {  	s25 =	simm.s32 $0x1B8E;
	[sflag:s24] =	ssyncadd.s32 $0xFFFFFFFF  }
0xa7: {  	s26 =	simm.s32 $execute0_lowered;
	[smem:$0x3FD2] =	sst s25  }
0xa8: {  	s6 =	sshll.u32 s26, $0x1;
	_ =	strace $0x80000046;
	[dreg:$0x1] =	wrdreg $0xFFFFFFFF  }
0xa9: {  	s28 =	simm.s32 $_size_execute0_lowered;
	s5 =	sadd.s32 s5, s6;
	[dreg:$0x0] =	wrdreg $0x0  }
0xaa: {  	s6 =	sshll.u32 s28, $0x1;
	[dreg:$0x2] =	wrdreg s5  }
0xab: {  	[dreg:$0x3] =	wrdreg s6  }
0xac: {  	[dreg:$0x4] =	wrdreg $0xC0  }
0xad: {  	_ =	task [dreg:s9], $0x5FFFF  }
0xae: {  	[dreg:$0x1] =	wrdreg $0xFFFFFFFF  }
0xaf: {  	[dreg:$0x0] =	wrdreg $0x60  }
0xb0: {  	[dreg:$0x2] =	wrdreg s2  }
0xb1: {  	[dreg:$0x3] =	wrdreg s19  }
0xb2: {  	[dreg:$0x4] =	wrdreg s4  }
0xb3: {  	[dreg:$0x5] =	wrdreg $0x9  }
0xb4: {  	_ =	task.clear_ibuf [dreg:s9], $0x6FFFF;
	_ =	strace $0x90000046  }
0xb5: {  	s29 =	simm.s32 $0x9;
	_ =	strace $0x80000048  }
0xb6: {  	_ =	swait.ge [sflag:s29], $0x1  }
0xb7: {  	[sflag:s29] =	ssyncadd.s32 $0xFFFFFFFF  }
0xb8: {  	_ =	strace $0x90000048  }
0xb9: {  	_ =	sfence  }
0xba: {  	s30 =	sld [smem:$0x0];
	_ =	sdelay $0x2  }
0xbb: {  	s31 =	sshll.u32 s1, $0xD;
	s1 =	sshrl.u32 s1, $0x2  }
0xbc: {  	s3 =	sand.u32 $0x4000, s31;
	s1 =	sadd.s32 s1, s30  }
0xbd: {  	s0 =	sor.u32 s3, s0;
	s1 =	sshll.u32 s1, $0x11  }
0xbe: {  	s0 =	sor.u32 s1, s0  }
0xbf: {  	s0 =	sadd.s32 $0x8F2B, s0  }
0xc0: {  	[sflag:s0] =	ssyncadd.remote.s32 $0x1  }
0xc1: {  	_ =	sfence.sel $0xFFFF  }
0xc2: {  	[dreg:$0x0] =	wrdreg $0xFFFFFFFF;
	(pc) =	sbr.abs _section_cstart, $3  }
0xc3: {  	[dreg:$0x1] =	wrdreg $0xFFFFFFFF  }
0xc4: {  	_ =	task.clear_ibuf [dreg:s9], $0x2FFFF;
	_ =	strace $0x9FFFFFFF  }
0xc5: {  	(tm) =	ssettm $0x7FFFFFFF  }
tec
execute0_lowered:
.L_overlay_start_1:
0x0: {  	(tag) =	ssettag $0x1  }
0x1: {  	s0 =	rddreg [dreg:$0x0]  }
0x2: {  	s1 =	rddreg [dreg:$0x1]  }
0x3: {  	s4 =	rddreg [dreg:$0x2];
	s3 =	srdreg.scid;
	s2 =	simm.s32 $0x0  }
0x4: {  	s6 =	stileid.u32;
	s13 =	simm.s32 $0x2000;
	s14 =	simm.s32 $0x4000  }
0x5: {  	s15 =	simm.s32 $0x6000;
	s16 =	simm.s32 $0x8000;
	s17 =	simm.s32 $0xA000  }
0x6: {  	s18 =	simm.s32 $0x1;
	s19 =	simm.s32 $0xC000;
	s20 =	simm.s32 $0xE000  }
0x7: {  	s21 =	simm.s32 $0x10000;
	s28 =	simm.s32 $0x7;
	s30 =	simm.s32 $0x4  }
0x8: {  	s31 =	simm.s32 $0x6;
	s3 =	sand.u32 $0x1, s3;
	s6 =	sshll.u32 s6, $0x10  }
0x9: {  	[smem:$0x7FF] =	sst s2;
	s5 =	ssub.s32 $0x2, s3;
	s7 =	sshll.u32 s3, $0xF  }
0xa: {  	_ =	strace $0x80000047;
	s29 =	sadd.s32 s6, s4;
	s8 =	sor.u32 s7, s6  }
0xb: {  	s22 =	sshrl.u32 s5, $0x1;
	s12 =	sadd.s32 s7, s29;
	s9 =	sadd.s32 s1, s8  }
0xc: {  	s5 =	ssub.s32 s5, s22;
	s23 =	sadd.s32 s0, s8;
	[dreg:$0x5] =	wrdreg s9  }
0xd: {  	s8 =	sor.u32 $0x400, s8;
	s24 =	sadd.s32 $0x100000, s23;
	[dreg:$0x4] =	wrdreg s23  }
0xe: {  	s22 =	simm.s32 $0x3;
	s25 =	sadd.s32 s1, s8;
	[dreg:$0x6] =	wrdreg s24  }
0xf: {  	s8 =	sadd.s32 s0, s8;
	s3 =	sadd.s32 $0x100400, s23;
	[dreg:$0x7] =	wrdreg s25  }
.Ltmp0:
0x10: {  	s26 =	smax.u32 s5, $0x1;
	[dreg:$0x8] =	wrdreg s8;
	(pc) =	sbr.rel .LBB2_1-.Ltmp0, $4  }
0x11: {  	s0 =	sadd.s32 s6, s0;
	s1 =	sadd.s32 s6, s1;
	[dreg:$0x9] =	wrdreg s3  }
0x12: {  	s23 =	simm.s32 $0x12000;
	[dreg:$0xa] =	wrdreg s26;
	s10 =	sadd.s32 s7, s0  }
0x13: {  	s11 =	sadd.s32 s7, s1;
	s24 =	simm.s32 $0x14000;
	s25 =	simm.s32 $0x16000  }
0x14: {  	s26 =	simm.s32 $0x5;
	s0 =	simm.s32 $0x8;
	s1 =	simm.s32 $0x0  }
.LBB2_4:
0x15: {  	s3 =	simm.s32 $0x2  }
0x16: {  	_ =	swait.ge [sflag:s3], $0x2000  }
0x17: {  	[sflag:s3] =	ssyncset.done $0x0  }
0x18: {  	[sflag:s3] =	ssyncadd.s32 $0xFFFFE000  }
0x19: {  	_ =	swait.ge [sflag:s3], $0x2000  }
0x1a: {  	[sflag:s3] =	ssyncset.done $0x0  }
0x1b: {  	[sflag:s3] =	ssyncadd.s32 $0xFFFFE000  }
0x1c: {  	_ =	swait.ge [sflag:s30], $0x2000  }
0x1d: {  	[sflag:s30] =	ssyncset.done $0x0  }
0x1e: {  	[sflag:s30] =	ssyncadd.s32 $0xFFFFE000  }
0x1f: {  	_ =	swait.ge [sflag:s30], $0x2000  }
0x20: {  	[sflag:s30] =	ssyncset.done $0x0  }
0x21: {  	[sflag:s30] =	ssyncadd.s32 $0xFFFFE000  }
0x22: {  	_ =	swait.ge [sflag:s31], $0x2000  }
0x23: {  	[sflag:s31] =	ssyncset.done $0x0  }
0x24: {  	[sflag:s31] =	ssyncadd.s32 $0xFFFFE000  }
0x25: {  	_ =	swait.ge [sflag:s31], $0x2000  }
0x26: {  	[sflag:s31] =	ssyncset.done $0x0  }
0x27: {  	[sflag:s31] =	ssyncadd.s32 $0xFFFFE000  }
0x28: {  	_ =	swait.ge [sflag:s0], $0x2000  }
0x29: {  	[sflag:s0] =	ssyncset.done $0x0  }
0x2a: {  	[sflag:s0] =	ssyncadd.s32 $0xFFFFE000  }
0x2b: {  	_ =	swait.ge [sflag:s0], $0x2000  }
0x2c: {  	s1 =	sadd.s32 $0x1, s1;
	s29 =	rddreg [dreg:$0xa]  }
0x2d: {  	p0 =	sne.s32 s1, s29  }
.Ltmp1:
0x2e: {  	_ = 	snop;
	(pc) =	sbr.rel @!p0 .LBB2_5-.Ltmp1, $3  }
0x2f: {  	_ =	sdelay $0x1  }
0x30: {  	[sflag:s0] =	ssyncset.done $0x0  }
0x31: {  	[sflag:s0] =	ssyncadd.s32 $0xFFFFE000  }
.LBB2_1:
0x32: {  	s3 =	rddreg [dreg:$0x5]  }
0x33: {  	[tilespmem:s2], [sflag:$0x1] =	stream.linear.gather [hbm4b:s3+s2], $0x2000, $0x38;
	[tilespmem:$0x18000] =	vst v63  }
0x34: {  	s6 =	rddreg [dreg:$0x4]  }
0x35: {  	[tilespmem:s13], [sflag:$0x1] =	stream.linear.gather [hbm4b:s6+s2], $0x2000, $0x38;
	[tilespmem:$0x18000] =	vst v63  }
0x36: {  	s7 =	rddreg [dreg:$0x6]  }
0x37: {  	[tilespmem:s14], [sflag:$0x1] =	stream.linear.gather [hbm4b:s7+s2], $0x2000, $0x38;
	[tilespmem:$0x18000] =	vst v63  }
0x38: {  	s8 =	rddreg [dreg:$0x7]  }
0x39: {  	[tilespmem:s15], [sflag:$0x3] =	stream.linear.gather [hbm4b:s8+s2], $0x2000, $0x38;
	[tilespmem:$0x18000] =	vst v63  }
0x3a: {  	s9 =	rddreg [dreg:$0x8]  }
0x3b: {  	[tilespmem:s16], [sflag:$0x3] =	stream.linear.gather [hbm4b:s9+s2], $0x2000, $0x38;
	[tilespmem:$0x18000] =	vst v63  }
0x3c: {  	s29 =	rddreg [dreg:$0x9];
	s4 =	simm.s32 $0x0  }
0x3d: {  	[tilespmem:s17], [sflag:$0x3] =	stream.linear.gather [hbm4b:s29+s2], $0x2000, $0x38;
	[tilespmem:$0x18000] =	vst v63  }
.LBB2_2:
0x3e: {  	_ =	swait.ge [sflag:s18], $0x2000  }
0x3f: {  	[sflag:s18] =	ssyncset.done $0x0  }
0x40: {  	[sflag:s18] =	ssyncadd.s32 $0xFFFFE000  }
0x41: {  	_ =	swait.ge [sflag:s18], $0x2000  }
0x42: {  	[sflag:s18] =	ssyncset.done $0x0  }
0x43: {  	[sflag:s18] =	ssyncadd.s32 $0xFFFFE000  }
0x44: {  	_ =	swait.ge [sflag:s18], $0x2000  }
0x45: {  	[sflag:s18] =	ssyncset.done $0x0  }
0x46: {  	s5 =	sadd.s32 s4, s12;
	p0 =	seq.s32 s4, $0x0;
	[sflag:s18] =	ssyncadd.s32 $0xFFFFE000  }
0x47: {  	[hbm4b:s5+s2] =	stream.linear.scatter [tilespmem:s13], [sflag:$0x2], $0x2000, $0x38;
	[tilespmem:$0x18000] =	vst v63  }
0x48: {  	s6 =	sadd.s32 $0x100000, s5;
	s7 =	simm.s32 @!p0 $0x6  }
0x49: {  	[hbm4b:s6+s2] =	stream.linear.scatter [tilespmem:s14], [sflag:$0x2], $0x2000, $0x38;
	[tilespmem:$0x18000] =	vst v63  }
0x4a: {  	_ =	swait.ge @!p0 [sflag:s7], $0x2000  }
0x4b: {  	[sflag:s7] =	ssyncset.done @!p0 $0x0  }
0x4c: {  	[sflag:s7] =	ssyncadd.s32 @!p0 $0xFFFFE000  }
0x4d: {  	_ =	swait.ge @!p0 [sflag:s7], $0x2000  }
0x4e: {  	s6 =	sadd.s32 s4, s11;
	[sflag:s7] =	ssyncset.done @!p0 $0x0  }
0x4f: {  	s9 =	sadd.s32 $0x800, s6;
	[sflag:s7] =	ssyncadd.s32 @!p0 $0xFFFFE000;
	s7 =	sadd.s32 s4, s10  }
0x50: {  	[tilespmem:s19], [sflag:$0x5] =	stream.linear.gather [hbm4b:s9+s2], $0x2000, $0x38;
	[tilespmem:$0x18000] =	vst v63  }
0x51: {  	s8 =	sadd.s32 $0x800, s7  }
0x52: {  	[tilespmem:s20], [sflag:$0x5] =	stream.linear.gather [hbm4b:s8+s2], $0x2000, $0x38;
	[tilespmem:$0x18000] =	vst v63  }
0x53: {  	s29 =	sadd.s32 $0x100800, s7  }
0x54: {  	[tilespmem:s21], [sflag:$0x5] =	stream.linear.gather [hbm4b:s29+s2], $0x2000, $0x38;
	[tilespmem:$0x18000] =	vst v63  }
0x55: {  	_ =	swait.ge [sflag:s22], $0x2000  }
0x56: {  	[sflag:s22] =	ssyncset.done $0x0  }
0x57: {  	[sflag:s22] =	ssyncadd.s32 $0xFFFFE000  }
0x58: {  	_ =	swait.ge [sflag:s22], $0x2000  }
0x59: {  	[sflag:s22] =	ssyncset.done $0x0  }
0x5a: {  	[sflag:s22] =	ssyncadd.s32 $0xFFFFE000  }
0x5b: {  	_ =	swait.ge [sflag:s22], $0x2000  }
0x5c: {  	[sflag:s22] =	ssyncset.done $0x0  }
0x5d: {  	s3 =	sadd.s32 $0x400, s5;
	[sflag:s22] =	ssyncadd.s32 $0xFFFFE000  }
0x5e: {  	[hbm4b:s3+s2] =	stream.linear.scatter [tilespmem:s16], [sflag:$0x4], $0x2000, $0x38;
	[tilespmem:$0x18000] =	vst v63  }
0x5f: {  	s9 =	sadd.s32 $0x100400, s5;
	s8 =	simm.s32 @!p0 $0x8  }
0x60: {  	[hbm4b:s9+s2] =	stream.linear.scatter [tilespmem:s17], [sflag:$0x4], $0x2000, $0x38;
	[tilespmem:$0x18000] =	vst v63  }
0x61: {  	_ =	swait.ge @!p0 [sflag:s8], $0x2000  }
0x62: {  	[sflag:s8] =	ssyncset.done @!p0 $0x0  }
0x63: {  	[sflag:s8] =	ssyncadd.s32 @!p0 $0xFFFFE000  }
0x64: {  	_ =	swait.ge @!p0 [sflag:s8], $0x2000  }
0x65: {  	[sflag:s8] =	ssyncset.done @!p0 $0x0  }
0x66: {  	s29 =	sadd.s32 $0xC00, s6;
	[sflag:s8] =	ssyncadd.s32 @!p0 $0xFFFFE000  }
0x67: {  	[tilespmem:s23], [sflag:$0x7] =	stream.linear.gather [hbm4b:s29+s2], $0x2000, $0x38;
	[tilespmem:$0x18000] =	vst v63  }
0x68: {  	s3 =	sadd.s32 $0xC00, s7  }
0x69: {  	[tilespmem:s24], [sflag:$0x7] =	stream.linear.gather [hbm4b:s3+s2], $0x2000, $0x38;
	[tilespmem:$0x18000] =	vst v63  }
0x6a: {  	s9 =	sadd.s32 $0x100C00, s7  }
0x6b: {  	[tilespmem:s25], [sflag:$0x7] =	stream.linear.gather [hbm4b:s9+s2], $0x2000, $0x38;
	[tilespmem:$0x18000] =	vst v63  }
0x6c: {  	_ =	swait.ge [sflag:s26], $0x2000  }
0x6d: {  	[sflag:s26] =	ssyncset.done $0x0  }
0x6e: {  	[sflag:s26] =	ssyncadd.s32 $0xFFFFE000  }
0x6f: {  	_ =	swait.ge [sflag:s26], $0x2000  }
0x70: {  	[sflag:s26] =	ssyncset.done $0x0  }
0x71: {  	[sflag:s26] =	ssyncadd.s32 $0xFFFFE000  }
0x72: {  	_ =	swait.ge [sflag:s26], $0x2000  }
0x73: {  	[sflag:s26] =	ssyncset.done $0x0  }
0x74: {  	p0 =	seq.s32 s4, $0x7000;
	s29 =	sadd.s32 $0x800, s5;
	[sflag:s26] =	ssyncadd.s32 $0xFFFFE000  }
0x75: {  	[hbm4b:s29+s2] =	stream.linear.scatter [tilespmem:s20], [sflag:$0x6], $0x2000, $0x38;
	[tilespmem:$0x18000] =	vst v63  }
0x76: {  	s8 =	simm.s32 @!p0 $0x2;
	s3 =	sadd.s32 $0x100800, s5  }
0x77: {  	[hbm4b:s3+s2] =	stream.linear.scatter [tilespmem:s21], [sflag:$0x6], $0x2000, $0x38;
	[tilespmem:$0x18000] =	vst v63  }
0x78: {  	_ =	swait.ge @!p0 [sflag:s8], $0x2000  }
0x79: {  	[sflag:s8] =	ssyncset.done @!p0 $0x0  }
0x7a: {  	[sflag:s8] =	ssyncadd.s32 @!p0 $0xFFFFE000  }
0x7b: {  	_ =	swait.ge @!p0 [sflag:s8], $0x2000  }
0x7c: {  	s9 =	sadd.s32 @!p0 s4, s11;
	[sflag:s8] =	ssyncset.done @!p0 $0x0  }
0x7d: {  	[sflag:s8] =	ssyncadd.s32 @!p0 $0xFFFFE000;
	s8 =	sadd.s32 @!p0 $0x1000, s9;
	s9 =	simm.s32 @!p0 $0x0  }
0x7e: {  	[tilespmem:s9], [sflag:$0x1] =	stream.linear.gather @!p0 [hbm4b:s8+s9], $0x2000, $0x38;
	[tilespmem:$0x18000] =	vst v63  }
0x7f: {  	s8 =	sadd.s32 @!p0 s4, s10  }
0x80: {  	s29 =	simm.s32 @!p0 $0x2000;
	s3 =	sadd.s32 @!p0 $0x1000, s8  }
0x81: {  	[tilespmem:s29], [sflag:$0x1] =	stream.linear.gather @!p0 [hbm4b:s3+s9], $0x2000, $0x38;
	[tilespmem:$0x18000] =	vst v63  }
0x82: {  	s3 =	sadd.s32 @!p0 $0x101000, s8;
	s8 =	simm.s32 @!p0 $0x4000  }
0x83: {  	[tilespmem:s8], [sflag:$0x1] =	stream.linear.gather @!p0 [hbm4b:s3+s9], $0x2000, $0x38;
	[tilespmem:$0x18000] =	vst v63  }
0x84: {  	_ =	swait.ge [sflag:s28], $0x2000  }
0x85: {  	[sflag:s28] =	ssyncset.done $0x0  }
0x86: {  	[sflag:s28] =	ssyncadd.s32 $0xFFFFE000  }
0x87: {  	_ =	swait.ge [sflag:s28], $0x2000  }
0x88: {  	[sflag:s28] =	ssyncset.done $0x0  }
0x89: {  	[sflag:s28] =	ssyncadd.s32 $0xFFFFE000  }
0x8a: {  	_ =	swait.ge [sflag:s28], $0x2000  }
.Ltmp2:
0x8b: {  	[sflag:s28] =	ssyncset.done $0x0;
	(pc) =	sbr.rel @p0 .LBB2_4-.Ltmp2, $4  }
0x8c: {  	s9 =	sadd.s32 $0xC00, s5;
	[sflag:s28] =	ssyncadd.s32 $0xFFFFE000  }
0x8d: {  	[hbm4b:s9+s2] =	stream.linear.scatter [tilespmem:s24], [sflag:$0x8], $0x2000, $0x38;
	[tilespmem:$0x18000] =	vst v63  }
0x8e: {  	s29 =	sadd.s32 $0x100C00, s5  }
0x8f: {  	[hbm4b:s29+s2] =	stream.linear.scatter [tilespmem:s25], [sflag:$0x8], $0x2000, $0x38;
	[tilespmem:$0x18000] =	vst v63  }
0x90: {  	_ =	swait.ge [sflag:s30], $0x2000  }
0x91: {  	[sflag:s30] =	ssyncset.done $0x0  }
0x92: {  	[sflag:s30] =	ssyncadd.s32 $0xFFFFE000  }
0x93: {  	_ =	swait.ge [sflag:s30], $0x2000  }
0x94: {  	[sflag:s30] =	ssyncset.done $0x0  }
0x95: {  	s3 =	sadd.s32 $0x1400, s6;
	[sflag:s30] =	ssyncadd.s32 $0xFFFFE000  }
0x96: {  	[tilespmem:s15], [sflag:$0x3] =	stream.linear.gather [hbm4b:s3+s2], $0x2000, $0x38;
	[tilespmem:$0x18000] =	vst v63  }
.Ltmp3:
0x97: {  	_ = 	snop;
	(pc) =	sbr.rel .LBB2_2-.Ltmp3, $4  }
0x98: {  	s9 =	sadd.s32 $0x1400, s7  }
0x99: {  	[tilespmem:s16], [sflag:$0x3] =	stream.linear.gather [hbm4b:s9+s2], $0x2000, $0x38;
	[tilespmem:$0x18000] =	vst v63  }
0x9a: {  	s29 =	sadd.s32 $0x101400, s7;
	s4 =	sadd.s32 $0x1000, s4  }
0x9b: {  	[tilespmem:s17], [sflag:$0x3] =	stream.linear.gather [hbm4b:s29+s2], $0x2000, $0x38;
	[tilespmem:$0x18000] =	vst v63  }
.LBB2_5:
0x9c: {  	_ =	sfence.sel $0x180000  }
0x9d: {  	[bflag:$0x0] =	sbarrier.arrive $0xFFFF  }
0x9e: {  	_ =	strace $0x90000047  }
0x9f: {  	s0 =	stileid.u32;
	[bflag:$0x2] =	sbarrier.arrive $0xFFFF  }
0xa0: {  	p0 =	sne.s32 s0, $0x0;
	s0 =	rddreg [dreg:$0x3]  }
0xa1: {  	s0 =	sadd.s32 @!p0 $0x100000, s0  }
0xa2: {  	[sflag:s0] =	ssyncadd.tile.s32 @!p0 $0x1;
	_ =	shalt  }
.Lfunc_end2:
_tile_overlayer_lowered:
.L_overlay_start_2:
0xa3: {  	(tag) =	ssettag $0x2  }
0xa4: {  	s0 =	rddreg [dreg:$0x0];
	s2 =	stileid.u32  }
0xa5: {  	s1 =	rddreg [dreg:$0x1];
	p0 =	sne.s32 s2, $0x0  }
0xa6: {  	s3 =	rddreg [dreg:$0x2];
	[bflag:$0x3] =	sbarrier.arrive $0xFFFF;
	s2 =	simm.s32 @!p0 $0x1C09  }
0xa7: {  	[timem:s3], [sflag:s2] =	dma.local @!p0 [hbm:s0], s1  }
0xa8: {  	s0 =	simm.s32 @!p0 $0x9  }
0xa9: {  	_ =	swait.ge @!p0 [sflag:s0], s1  }
0xaa: {  	s1 =	ssub.s32 @!p0 $0x0, s1;
	[sflag:s0] =	ssyncset.done @!p0 $0x0  }
0xab: {  	[sflag:s0] =	ssyncadd.s32 @!p0 s1  }
0xac: {  	[bflag:$0x3] =	sbarrier.arrive $0xFFFF  }
0xad: {  	_ =	shalt  }

</sc_bundles>
